<compile_context>
chip_gen: v7x
topology: tpu7x:2x2x1
jax: 0.10.2.dev20260603
libtpu: 0.0.44.dev20260713+nightly
codegen_flags: <defaults>
</compile_context>

<pallas_src>
import jax
import jax.numpy as jnp
from jax.experimental import pallas as pl
from jax.experimental.pallas import tpu as pltpu

_LIOU_HALF = 15.0
_W_CLS = 4.0
_W_GEOM = 5.0
_W_IOU = 2.0
_W_DIST = 1.0
_W_THETA = 2.0
_TOPK = 10
_BIG = 100000000.0


def _assign_body(wref, href, pfeat_ref, plines_ref, tcol_ref, tlines_ref,
                 mcol_ref, out_ref):
    for bi in range(pfeat_ref.shape[0]):
        _one_batch(wref[0, 0], href[0, 0], pfeat_ref[bi], plines_ref[bi],
                   tcol_ref[bi], tlines_ref[bi], mcol_ref[bi],
                   out_ref, bi)


def _one_batch(w, h, pf, plx, tc, tl, mc, out_ref, bi):
    noff, n = plx.shape
    t_count = tl.shape[1]

    l0 = pf[0:1, :]
    l1 = pf[1:2, :]
    mx = jnp.maximum(l0, l1)
    e0 = jnp.exp(l0 - mx)
    e1 = jnp.exp(l1 - mx)
    score = e1 / (e0 + e1)
    cls_cost = -jnp.log(jnp.maximum(score, 1e-08))

    psy = pf[2:3, :]
    psx = pf[3:4, :]
    pth = pf[4:5, :]
    plen = pf[5:6, :]
    gsy = tc[:, 2:3]
    gsx = tc[:, 3:4]
    gth = tc[:, 4:5]
    dx = psx * (w - 1.0) - gsx * (w - 1.0)
    dy = (psy - gsy) * (h - 1.0)
    dist_cost = jnp.sqrt(dx * dx + dy * dy + 1e-08) / (w - 1.0)
    theta_cost = jnp.abs(pth - gth)
    geom_cost = _W_DIST * dist_cost + _W_THETA * theta_cost

    oi = jax.lax.broadcasted_iota(jnp.int32, (noff, n), 0).astype(jnp.float32)
    psi = (1.0 - psy) * (noff - 1.0)
    pli = plen * (noff - 1.0)
    pmf = ((oi >= psi) & (oi <= psi + pli)).astype(jnp.float32)

    ppix = plx * (w - 1.0)
    tlpix = tl * (w - 1.0)
    base = (2.0 * _LIOU_HALF) * jnp.sum(pmf, axis=0, keepdims=True)
    chunk = 512
    sad_cols = []
    for c in range(0, n, chunk):
        pp = ppix[:, c:c + chunk]
        pm = pmf[:, c:c + chunk]
        rows = []
        for t in range(t_count):
            g = tlpix[:, t:t + 1]
            rows.append(jnp.sum(jnp.abs(pp - g) * pm, axis=0, keepdims=True))
        sad_cols.append(jnp.concatenate(rows, axis=0))
    sad = jnp.concatenate(sad_cols, axis=1)
    ious = (base - sad) / (base + sad + 1e-09)

    t_iota = jax.lax.broadcasted_iota(jnp.int32, (t_count, 1), 0).astype(jnp.float32)
    num_valid = jnp.sum((mc != 0.0).astype(jnp.float32))
    col_valid = t_iota < num_valid
    pair_ious = jnp.where(col_valid, ious, 0.0)
    iou_cost = 1.0 - pair_ious
    mask_pen = 100000.0 * (1.0 - (mc != 0.0).astype(jnp.float32))
    total = (_W_CLS * cls_cost + _W_GEOM * geom_cost + _W_IOU * iou_cost
             + mask_pen)

    lane_n = jax.lax.broadcasted_iota(jnp.int32, (t_count, n), 1).astype(jnp.float32)
    work = pair_ious
    ssum = jnp.zeros((t_count, 1), jnp.float32)
    rank = jnp.full((t_count, n), float(_TOPK), jnp.float32)
    cwork = total
    for r in range(_TOPK):
        vmax = jnp.max(work, axis=1, keepdims=True)
        ssum = ssum + vmax
        wfirst = jnp.min(jnp.where(work == vmax, lane_n, float(n)),
                         axis=1, keepdims=True)
        work = jnp.where(lane_n == wfirst, -jnp.inf, work)

        vmin = jnp.min(cwork, axis=1, keepdims=True)
        cfirst = jnp.min(jnp.where(cwork == vmin, lane_n, float(n)),
                         axis=1, keepdims=True)
        onehot = lane_n == cfirst
        rank = jnp.where(onehot, float(r), rank)
        cwork = jnp.where(onehot, jnp.inf, cwork)
    ks = jnp.clip(ssum.astype(jnp.int32), 1, n)
    sel = (rank < ks.astype(jnp.float32)) & col_valid

    csel = jnp.where(sel, total, _BIG)
    mn = jnp.min(csel, axis=0, keepdims=True)
    trow = jax.lax.broadcasted_iota(jnp.int32, (t_count, n), 0).astype(jnp.float32)
    midx = jnp.min(jnp.where(csel == mn, trow, 1e9), axis=0, keepdims=True)
    matched = jnp.where(mn < _BIG, midx, -1.0).astype(jnp.int32)
    out_ref[bi, 0:1, :] = matched


def kernel(preds, targets, masks, img_w, img_h):
    b, n, d = preds.shape
    t = targets.shape[1]
    noff = d - 6

    pfeat = jnp.pad(jnp.transpose(preds[:, :, :6], (0, 2, 1)),
                    ((0, 0), (0, 2), (0, 0)))
    plines = jnp.transpose(preds[:, :, 6:], (0, 2, 1))
    tcol = jnp.pad(targets[:, :, :6], ((0, 0), (0, 0), (0, 2)))
    tlines = jnp.transpose(targets[:, :, 6:], (0, 2, 1))
    mcol = masks.reshape(b, t, 1)
    wseed = jnp.asarray(img_w, jnp.float32).reshape(1, 1)
    hseed = jnp.asarray(img_h, jnp.float32).reshape(1, 1)

    bb = 1
    grid = (b // bb,)
    matched = pl.pallas_call(
        _assign_body,
        grid=grid,
        in_specs=[
            pl.BlockSpec((1, 1), lambda i: (0, 0), memory_space=pltpu.SMEM),
            pl.BlockSpec((1, 1), lambda i: (0, 0), memory_space=pltpu.SMEM),
            pl.BlockSpec((bb, 8, n), lambda i: (i, 0, 0)),
            pl.BlockSpec((bb, noff, n), lambda i: (i, 0, 0)),
            pl.BlockSpec((bb, t, 8), lambda i: (i, 0, 0)),
            pl.BlockSpec((bb, noff, t), lambda i: (i, 0, 0)),
            pl.BlockSpec((bb, t, 1), lambda i: (i, 0, 0)),
        ],
        out_specs=pl.BlockSpec((bb, 1, n), lambda i: (i, 0, 0)),
        out_shape=jax.ShapeDtypeStruct((b, 1, n), jnp.int32),
        compiler_params=pltpu.CompilerParams(
            dimension_semantics=("parallel",)),
    )(wseed, hseed, pfeat, plines, tcol, tlines, mcol)

    matched = matched.reshape(b, n)
    return (matched >= 0, matched)

# --- scband reference (transcript-rebuilt; emitter-appended) ---
"""Pipeline reference for scband-geometry-aware-assign-88622355185748 (READ-ONLY COPY).

The authoritative reference and input builder live on the scoring server;
editing this copy changes nothing except your own understanding.
"""

import jax, jax.numpy as jnp
import numpy as np

W_CLS = 4.0; W_GEOM = 5.0; W_IOU = 2.0; W_DIST = 1.0; W_THETA = 2.0; SIMOTA_Q = 10

def line_iou(pred, target, img_w, length=15, pred_mask=None):
    # pred: [Np, n_off] (pixel x-coords), target: [Ng, n_off]
    px1 = pred - length; px2 = pred + length
    tx1 = target - length; tx2 = target + length
    ovr = jnp.minimum(px2[:, None, :], tx2[None, :, :]) - jnp.maximum(px1[:, None, :], tx1[None, :, :])
    union = jnp.maximum(px2[:, None, :], tx2[None, :, :]) - jnp.minimum(px1[:, None, :], tx1[None, :, :])
    invalid = (target < 0) | (target >= img_w)
    invalid = jnp.broadcast_to(invalid[None, :, :], ovr.shape)
    if pred_mask is not None:
        invalid = invalid | (~pred_mask[:, None, :])
    ovr = jnp.where(invalid, 0.0, ovr)
    union = jnp.where(invalid, 0.0, union)
    return ovr.sum(-1) / (union.sum(-1) + 1e-9)

def setup_inputs(seed: int = 0):
    key = jax.random.key(seed)
    k1, k2 = jax.random.split(key)
    B, N, T, D = 32, 4096, 16, 78
    preds = jax.random.uniform(k1, (B, N, D), dtype=jnp.float32)
    targets = jax.random.uniform(k2, (B, T, D), dtype=jnp.float32)
    masks = jnp.ones((B, T), dtype=jnp.float32)
    return {"preds": preds, "targets": targets, "masks": masks, "img_w": 800, "img_h": 320}

def reference(preds, targets, masks, img_w, img_h):
    batch_size, num_priors, D = preds.shape
    max_targets = targets.shape[1]
    pred_scores = jax.nn.softmax(preds[..., :2], axis=-1)[..., 1]
    pred_start_y = preds[..., 2]; pred_start_x = preds[..., 3]; pred_theta = preds[..., 4]
    gt_start_y = targets[..., 2]; gt_start_x = targets[..., 3]; gt_theta = targets[..., 4]
    delta_x = pred_start_x[:, :, None] * (img_w - 1) - gt_start_x[:, None, :] * (img_w - 1)
    delta_y = (pred_start_y[:, :, None] - gt_start_y[:, None, :]) * (img_h - 1)
    dist_cost = jnp.sqrt(delta_x ** 2 + delta_y ** 2 + 1e-08) / (img_w - 1)
    theta_cost = jnp.abs(pred_theta[:, :, None] - gt_theta[:, None, :])
    geom_cost = W_DIST * dist_cost + W_THETA * theta_cost
    cls_cost = -jnp.log(jnp.clip(pred_scores[:, :, None], 1e-08, None))
    pred_lines = preds[..., 6:] * (img_w - 1)
    gt_lines = targets[..., 6:] * (img_w - 1)
    n_offsets = D - 6
    offset_index = jnp.arange(n_offsets).reshape(1, 1, -1)
    pred_start_idx = (1.0 - pred_start_y) * (n_offsets - 1)
    pred_len_idx = preds[..., 5] * (n_offsets - 1)
    pred_mask = (offset_index >= pred_start_idx[..., None]) & (offset_index <= (pred_start_idx + pred_len_idx)[..., None])
    num_valid = masks.astype(bool).sum(-1)
    col_valid = jnp.arange(max_targets)[None, :] < num_valid[:, None]
    ious = jax.vmap(lambda p, t, m: line_iou(p, t, img_w, 15, m))(pred_lines, gt_lines, pred_mask)
    ious = jnp.nan_to_num(ious, nan=0.0)
    pair_wise_ious = jnp.where(col_valid[:, None, :], ious, 0.0)
    iou_cost = 1.0 - pair_wise_ious
    mask_expanded = jnp.broadcast_to(masks[:, None, :], (batch_size, num_priors, max_targets))
    total_cost = W_CLS * cls_cost + W_GEOM * geom_cost + W_IOU * iou_cost + 100000.0 * (1.0 - (mask_expanded != 0).astype(jnp.float32))
    n_candidate_k = min(SIMOTA_Q, num_priors)
    topk_ious = jax.lax.top_k(jnp.transpose(pair_wise_ious, (0, 2, 1)), n_candidate_k)[0]
    dynamic_ks = jnp.clip(topk_ious.sum(-1).astype(jnp.int32), 1, num_priors)
    perm = jnp.argsort(total_cost, axis=1, stable=True)
    ranks = jnp.argsort(perm, axis=1, stable=True)
    selected = (ranks < dynamic_ks[:, None, :]) & col_valid[:, None, :]
    matched = jnp.full((batch_size, num_priors), -1, dtype=jnp.int64)
    min_costs = jnp.full((batch_size, num_priors), 100000000.0, dtype=jnp.float32)
    for gt_idx in range(max_targets):
        cc = total_cost[:, :, gt_idx]
        upd = selected[:, :, gt_idx] & (cc < min_costs)
        matched = jnp.where(upd, gt_idx, matched)
        min_costs = jnp.where(upd, cc, min_costs)
    return (matched >= 0, matched)

if __name__ == "__main__":
    import jax
    _d = setup_inputs()
    print(jax.jit(kernel)(*tuple(_d.values())))

</pallas_src>

<mosaic_0001>
module attributes {stable_mosaic.version = 14 : i64} {
  func.func @_assign_body(%arg0: i32, %arg1: memref<1x1xf32, #tpu.memory_space<smem>>, %arg2: memref<1x1xf32, #tpu.memory_space<smem>>, %arg3: memref<1x8x4096xf32, #tpu.memory_space<vmem>>, %arg4: memref<1x72x4096xf32, #tpu.memory_space<vmem>>, %arg5: memref<1x16x8xf32, #tpu.memory_space<vmem>>, %arg6: memref<1x72x16xf32, #tpu.memory_space<vmem>>, %arg7: memref<1x16x1xf32, #tpu.memory_space<vmem>>, %arg8: memref<1x1x4096xi32, #tpu.memory_space<vmem>>) attributes {dimension_semantics = [#tpu.dimension_semantics<parallel>], iteration_bounds = array<i64: 32>, scalar_prefetch = 0 : i64, scratch_operands = 0 : i64, tpu.core_type = #tpu.core_type<tc>, window_params = [{transform_indices = @transform_0, window_bounds = array<i64: 1, 1>}, {transform_indices = @transform_1, window_bounds = array<i64: 1, 1>}, {transform_indices = @transform_2, window_bounds = array<i64: 1, 8, 4096>}, {transform_indices = @transform_3, window_bounds = array<i64: 1, 72, 4096>}, {transform_indices = @transform_4, window_bounds = array<i64: 1, 16, 8>}, {transform_indices = @transform_5, window_bounds = array<i64: 1, 72, 16>}, {transform_indices = @transform_6, window_bounds = array<i64: 1, 16, 1>}, {transform_indices = @transform_7, window_bounds = array<i64: 1, 1, 4096>}]} {
    %get3A = arith.constant 0 : index
    %get3A_0 = arith.constant 0 : index
    %get3A_1 = memref.load %arg1[%get3A, %get3A_0] : memref<1x1xf32, #tpu.memory_space<smem>>
    %get3A_2 = arith.constant 0 : index
    %get3A_3 = arith.constant 0 : index
    %get3A_4 = memref.load %arg2[%get3A_2, %get3A_3] : memref<1x1xf32, #tpu.memory_space<smem>>
    %get3A_5 = arith.constant 0 : index
    %get3A_6 = arith.constant 0 : index
    %get3A_7 = arith.constant 0 : index
    %get3A_8 = vector.load %arg3[%get3A_5, %get3A_6, %get3A_7] : memref<1x8x4096xf32, #tpu.memory_space<vmem>>, vector<1x8x4096xf32>
    %get3A_9 = vector.shape_cast %get3A_8 : vector<1x8x4096xf32> to vector<8x4096xf32>
    %get3A_10 = arith.constant 0 : index
    %get3A_11 = arith.constant 0 : index
    %get3A_12 = arith.constant 0 : index
    %get3A_13 = vector.load %arg4[%get3A_10, %get3A_11, %get3A_12] : memref<1x72x4096xf32, #tpu.memory_space<vmem>>, vector<1x72x4096xf32>
    %get3A_14 = vector.shape_cast %get3A_13 : vector<1x72x4096xf32> to vector<72x4096xf32>
    %get3A_15 = arith.constant 0 : index
    %get3A_16 = arith.constant 0 : index
    %get3A_17 = arith.constant 0 : index
    %get3A_18 = vector.load %arg5[%get3A_15, %get3A_16, %get3A_17] : memref<1x16x8xf32, #tpu.memory_space<vmem>>, vector<1x16x8xf32>
    %get3A_19 = vector.shape_cast %get3A_18 : vector<1x16x8xf32> to vector<16x8xf32>
    %get3A_20 = arith.constant 0 : index
    %get3A_21 = arith.constant 0 : index
    %get3A_22 = arith.constant 0 : index
    %get3A_23 = vector.load %arg6[%get3A_20, %get3A_21, %get3A_22] : memref<1x72x16xf32, #tpu.memory_space<vmem>>, vector<1x72x16xf32>
    %get3A_24 = vector.shape_cast %get3A_23 : vector<1x72x16xf32> to vector<72x16xf32>
    %get3A_25 = arith.constant 0 : index
    %get3A_26 = arith.constant 0 : index
    %get3A_27 = arith.constant 0 : index
    %get3A_28 = vector.load %arg7[%get3A_25, %get3A_26, %get3A_27] : memref<1x16x1xf32, #tpu.memory_space<vmem>>, vector<1x16x1xf32>
    %get3A_29 = vector.shape_cast %get3A_28 : vector<1x16x1xf32> to vector<16x1xf32>
    %slice3A = vector.extract_strided_slice %get3A_9 {offsets = [0, 0], sizes = [1, 4096], strides = [1, 1]} : vector<8x4096xf32> to vector<1x4096xf32>
    %slice3A_30 = vector.extract_strided_slice %get3A_9 {offsets = [1, 0], sizes = [1, 4096], strides = [1, 1]} : vector<8x4096xf32> to vector<1x4096xf32>
    %max3A = arith.maximumf %slice3A, %slice3A_30 : vector<1x4096xf32>
    %sub3A = arith.subf %slice3A, %max3A : vector<1x4096xf32>
    %exp3A = math.exp %sub3A : vector<1x4096xf32>
    %sub3A_31 = arith.subf %slice3A_30, %max3A : vector<1x4096xf32>
    %exp3A_32 = math.exp %sub3A_31 : vector<1x4096xf32>
    %add3A = arith.addf %exp3A, %exp3A_32 : vector<1x4096xf32>
    %div3A = arith.divf %exp3A_32, %add3A : vector<1x4096xf32>
    %max3A_33 = arith.constant 9.99999993E-9 : f32
    %max3A_34 = vector.broadcast %max3A_33 : f32 to vector<1x4096xf32>
    %max3A_35 = arith.maximumf %div3A, %max3A_34 : vector<1x4096xf32>
    %log3A = math.log %max3A_35 : vector<1x4096xf32>
    %neg3A = arith.constant 0.000000e+00 : f32
    %neg3A_36 = vector.broadcast %neg3A : f32 to vector<1x4096xf32>
    %neg3A_37 = arith.subf %neg3A_36, %log3A : vector<1x4096xf32>
    %slice3A_38 = vector.extract_strided_slice %get3A_9 {offsets = [2, 0], sizes = [1, 4096], strides = [1, 1]} : vector<8x4096xf32> to vector<1x4096xf32>
    %slice3A_39 = vector.extract_strided_slice %get3A_9 {offsets = [3, 0], sizes = [1, 4096], strides = [1, 1]} : vector<8x4096xf32> to vector<1x4096xf32>
    %slice3A_40 = vector.extract_strided_slice %get3A_9 {offsets = [4, 0], sizes = [1, 4096], strides = [1, 1]} : vector<8x4096xf32> to vector<1x4096xf32>
    %slice3A_41 = vector.extract_strided_slice %get3A_9 {offsets = [5, 0], sizes = [1, 4096], strides = [1, 1]} : vector<8x4096xf32> to vector<1x4096xf32>
    %slice3A_42 = vector.extract_strided_slice %get3A_19 {offsets = [0, 2], sizes = [16, 1], strides = [1, 1]} : vector<16x8xf32> to vector<16x1xf32>
    %slice3A_43 = vector.extract_strided_slice %get3A_19 {offsets = [0, 3], sizes = [16, 1], strides = [1, 1]} : vector<16x8xf32> to vector<16x1xf32>
    %slice3A_44 = vector.extract_strided_slice %get3A_19 {offsets = [0, 4], sizes = [16, 1], strides = [1, 1]} : vector<16x8xf32> to vector<16x1xf32>
    %sub3A_45 = arith.constant 1.000000e+00 : f32
    %sub3A_46 = arith.subf %get3A_1, %sub3A_45 : f32
    %mul3A = vector.broadcast %sub3A_46 : f32 to vector<1x4096xf32>
    %mul3A_47 = arith.mulf %slice3A_39, %mul3A : vector<1x4096xf32>
    %sub3A_48 = arith.constant 1.000000e+00 : f32
    %sub3A_49 = arith.subf %get3A_1, %sub3A_48 : f32
    %mul3A_50 = vector.broadcast %sub3A_49 : f32 to vector<16x1xf32>
    %mul3A_51 = arith.mulf %slice3A_43, %mul3A_50 : vector<16x1xf32>
    %sub3A_52 = vector.broadcast %mul3A_47 : vector<1x4096xf32> to vector<16x4096xf32>
    %sub3A_53 = vector.broadcast %mul3A_51 : vector<16x1xf32> to vector<16x4096xf32>
    %sub3A_54 = arith.subf %sub3A_52, %sub3A_53 : vector<16x4096xf32>
    %sub3A_55 = vector.broadcast %slice3A_38 : vector<1x4096xf32> to vector<16x4096xf32>
    %sub3A_56 = vector.broadcast %slice3A_42 : vector<16x1xf32> to vector<16x4096xf32>
    %sub3A_57 = arith.subf %sub3A_55, %sub3A_56 : vector<16x4096xf32>
    %sub3A_58 = arith.constant 1.000000e+00 : f32
    %sub3A_59 = arith.subf %get3A_4, %sub3A_58 : f32
    %mul3A_60 = vector.broadcast %sub3A_59 : f32 to vector<16x4096xf32>
    %mul3A_61 = arith.mulf %sub3A_57, %mul3A_60 : vector<16x4096xf32>
    %mul3A_62 = arith.mulf %sub3A_54, %sub3A_54 : vector<16x4096xf32>
    %mul3A_63 = arith.mulf %mul3A_61, %mul3A_61 : vector<16x4096xf32>
    %add3A_64 = arith.addf %mul3A_62, %mul3A_63 : vector<16x4096xf32>
    %add3A_65 = arith.constant 9.99999993E-9 : f32
    %add3A_66 = vector.broadcast %add3A_65 : f32 to vector<16x4096xf32>
    %add3A_67 = arith.addf %add3A_64, %add3A_66 : vector<16x4096xf32>
    %sqrt3A = math.sqrt %add3A_67 : vector<16x4096xf32>
    %sub3A_68 = arith.constant 1.000000e+00 : f32
    %sub3A_69 = arith.subf %get3A_1, %sub3A_68 : f32
    %div3A_70 = vector.broadcast %sub3A_69 : f32 to vector<16x4096xf32>
    %div3A_71 = arith.divf %sqrt3A, %div3A_70 : vector<16x4096xf32>
    %sub3A_72 = vector.broadcast %slice3A_40 : vector<1x4096xf32> to vector<16x4096xf32>
    %sub3A_73 = vector.broadcast %slice3A_44 : vector<16x1xf32> to vector<16x4096xf32>
    %sub3A_74 = arith.subf %sub3A_72, %sub3A_73 : vector<16x4096xf32>
    %abs3A = math.absf %sub3A_74 : vector<16x4096xf32>
    %mul3A_75 = arith.constant 1.000000e+00 : f32
    %mul3A_76 = vector.broadcast %mul3A_75 : f32 to vector<16x4096xf32>
    %mul3A_77 = arith.mulf %mul3A_76, %div3A_71 : vector<16x4096xf32>
    %mul3A_78 = arith.constant 2.000000e+00 : f32
    %mul3A_79 = vector.broadcast %mul3A_78 : f32 to vector<16x4096xf32>
    %mul3A_80 = arith.mulf %mul3A_79, %abs3A : vector<16x4096xf32>
    %add3A_81 = arith.addf %mul3A_77, %mul3A_80 : vector<16x4096xf32>
    %iota3A = tpu.iota {dimensions = array<i32: 0>} : vector<72x4096xi32>
    %convert_element_type3A = arith.sitofp %iota3A : vector<72x4096xi32> to vector<72x4096xf32>
    %sub3A_82 = arith.constant 1.000000e+00 : f32
    %sub3A_83 = vector.broadcast %sub3A_82 : f32 to vector<1x4096xf32>
    %sub3A_84 = arith.subf %sub3A_83, %slice3A_38 : vector<1x4096xf32>
    %mul3A_85 = arith.constant 7.100000e+01 : f32
    %mul3A_86 = vector.broadcast %mul3A_85 : f32 to vector<1x4096xf32>
    %mul3A_87 = arith.mulf %sub3A_84, %mul3A_86 : vector<1x4096xf32>
    %mul3A_88 = arith.constant 7.100000e+01 : f32
    %mul3A_89 = vector.broadcast %mul3A_88 : f32 to vector<1x4096xf32>
    %mul3A_90 = arith.mulf %slice3A_41, %mul3A_89 : vector<1x4096xf32>
    %ge3A = vector.broadcast %mul3A_87 : vector<1x4096xf32> to vector<72x4096xf32>
    %ge3A_91 = arith.cmpf oge, %convert_element_type3A, %ge3A : vector<72x4096xf32>
    %add3A_92 = arith.addf %mul3A_87, %mul3A_90 : vector<1x4096xf32>
    %le3A = vector.broadcast %add3A_92 : vector<1x4096xf32> to vector<72x4096xf32>
    %le3A_93 = arith.cmpf ole, %convert_element_type3A, %le3A : vector<72x4096xf32>
    %and3A = arith.andi %ge3A_91, %le3A_93 : vector<72x4096xi1>
    %convert_element_type3A_94 = arith.extui %and3A : vector<72x4096xi1> to vector<72x4096xi32>
    %convert_element_type3A_95 = arith.sitofp %convert_element_type3A_94 : vector<72x4096xi32> to vector<72x4096xf32>
    %sub3A_96 = arith.constant 1.000000e+00 : f32
    %sub3A_97 = arith.subf %get3A_1, %sub3A_96 : f32
    %mul3A_98 = vector.broadcast %sub3A_97 : f32 to vector<72x4096xf32>
    %mul3A_99 = arith.mulf %get3A_14, %mul3A_98 : vector<72x4096xf32>
    %sub3A_100 = arith.constant 1.000000e+00 : f32
    %sub3A_101 = arith.subf %get3A_1, %sub3A_100 : f32
    %mul3A_102 = vector.broadcast %sub3A_101 : f32 to vector<72x16xf32>
    %mul3A_103 = arith.mulf %get3A_24, %mul3A_102 : vector<72x16xf32>
    %reduce_sum3A = arith.constant dense<0.000000e+00> : vector<4096xf32>
    %reduce_sum3A_104 = vector.multi_reduction <add>, %convert_element_type3A_95, %reduce_sum3A [0] : vector<72x4096xf32> to vector<4096xf32>
    %broadcast_in_dim3A = vector.shape_cast %reduce_sum3A_104 : vector<4096xf32> to vector<1x4096xf32>
    %mul3A_105 = arith.constant 3.000000e+01 : f32
    %mul3A_106 = vector.broadcast %mul3A_105 : f32 to vector<1x4096xf32>
    %mul3A_107 = arith.mulf %mul3A_106, %broadcast_in_dim3A : vector<1x4096xf32>
    %slice3A_108 = vector.extract_strided_slice %mul3A_99 {offsets = [0, 0], sizes = [72, 512], strides = [1, 1]} : vector<72x4096xf32> to vector<72x512xf32>
    %slice3A_109 = vector.extract_strided_slice %convert_element_type3A_95 {offsets = [0, 0], sizes = [72, 512], strides = [1, 1]} : vector<72x4096xf32> to vector<72x512xf32>
    %slice3A_110 = vector.extract_strided_slice %mul3A_103 {offsets = [0, 0], sizes = [72, 1], strides = [1, 1]} : vector<72x16xf32> to vector<72x1xf32>
    %sub3A_111 = vector.broadcast %slice3A_110 : vector<72x1xf32> to vector<72x512xf32>
    %sub3A_112 = arith.subf %slice3A_108, %sub3A_111 : vector<72x512xf32>
    %abs3A_113 = math.absf %sub3A_112 : vector<72x512xf32>
    %mul3A_114 = arith.mulf %abs3A_113, %slice3A_109 : vector<72x512xf32>
    %reduce_sum3A_115 = arith.constant dense<0.000000e+00> : vector<512xf32>
    %reduce_sum3A_116 = vector.multi_reduction <add>, %mul3A_114, %reduce_sum3A_115 [0] : vector<72x512xf32> to vector<512xf32>
    %broadcast_in_dim3A_117 = vector.shape_cast %reduce_sum3A_116 : vector<512xf32> to vector<1x512xf32>
    %slice3A_118 = vector.extract_strided_slice %mul3A_103 {offsets = [0, 1], sizes = [72, 1], strides = [1, 1]} : vector<72x16xf32> to vector<72x1xf32>
    %sub3A_119 = vector.broadcast %slice3A_118 : vector<72x1xf32> to vector<72x512xf32>
    %sub3A_120 = arith.subf %slice3A_108, %sub3A_119 : vector<72x512xf32>
    %abs3A_121 = math.absf %sub3A_120 : vector<72x512xf32>
    %mul3A_122 = arith.mulf %abs3A_121, %slice3A_109 : vector<72x512xf32>
    %reduce_sum3A_123 = arith.constant dense<0.000000e+00> : vector<512xf32>
    %reduce_sum3A_124 = vector.multi_reduction <add>, %mul3A_122, %reduce_sum3A_123 [0] : vector<72x512xf32> to vector<512xf32>
    %broadcast_in_dim3A_125 = vector.shape_cast %reduce_sum3A_124 : vector<512xf32> to vector<1x512xf32>
    %slice3A_126 = vector.extract_strided_slice %mul3A_103 {offsets = [0, 2], sizes = [72, 1], strides = [1, 1]} : vector<72x16xf32> to vector<72x1xf32>
    %sub3A_127 = vector.broadcast %slice3A_126 : vector<72x1xf32> to vector<72x512xf32>
    %sub3A_128 = arith.subf %slice3A_108, %sub3A_127 : vector<72x512xf32>
    %abs3A_129 = math.absf %sub3A_128 : vector<72x512xf32>
    %mul3A_130 = arith.mulf %abs3A_129, %slice3A_109 : vector<72x512xf32>
    %reduce_sum3A_131 = arith.constant dense<0.000000e+00> : vector<512xf32>
    %reduce_sum3A_132 = vector.multi_reduction <add>, %mul3A_130, %reduce_sum3A_131 [0] : vector<72x512xf32> to vector<512xf32>
    %broadcast_in_dim3A_133 = vector.shape_cast %reduce_sum3A_132 : vector<512xf32> to vector<1x512xf32>
    %slice3A_134 = vector.extract_strided_slice %mul3A_103 {offsets = [0, 3], sizes = [72, 1], strides = [1, 1]} : vector<72x16xf32> to vector<72x1xf32>
    %sub3A_135 = vector.broadcast %slice3A_134 : vector<72x1xf32> to vector<72x512xf32>
    %sub3A_136 = arith.subf %slice3A_108, %sub3A_135 : vector<72x512xf32>
    %abs3A_137 = math.absf %sub3A_136 : vector<72x512xf32>
    %mul3A_138 = arith.mulf %abs3A_137, %slice3A_109 : vector<72x512xf32>
    %reduce_sum3A_139 = arith.constant dense<0.000000e+00> : vector<512xf32>
    %reduce_sum3A_140 = vector.multi_reduction <add>, %mul3A_138, %reduce_sum3A_139 [0] : vector<72x512xf32> to vector<512xf32>
    %broadcast_in_dim3A_141 = vector.shape_cast %reduce_sum3A_140 : vector<512xf32> to vector<1x512xf32>
    %slice3A_142 = vector.extract_strided_slice %mul3A_103 {offsets = [0, 4], sizes = [72, 1], strides = [1, 1]} : vector<72x16xf32> to vector<72x1xf32>
    %sub3A_143 = vector.broadcast %slice3A_142 : vector<72x1xf32> to vector<72x512xf32>
    %sub3A_144 = arith.subf %slice3A_108, %sub3A_143 : vector<72x512xf32>
    %abs3A_145 = math.absf %sub3A_144 : vector<72x512xf32>
    %mul3A_146 = arith.mulf %abs3A_145, %slice3A_109 : vector<72x512xf32>
    %reduce_sum3A_147 = arith.constant dense<0.000000e+00> : vector<512xf32>
    %reduce_sum3A_148 = vector.multi_reduction <add>, %mul3A_146, %reduce_sum3A_147 [0] : vector<72x512xf32> to vector<512xf32>
    %broadcast_in_dim3A_149 = vector.shape_cast %reduce_sum3A_148 : vector<512xf32> to vector<1x512xf32>
    %slice3A_150 = vector.extract_strided_slice %mul3A_103 {offsets = [0, 5], sizes = [72, 1], strides = [1, 1]} : vector<72x16xf32> to vector<72x1xf32>
    %sub3A_151 = vector.broadcast %slice3A_150 : vector<72x1xf32> to vector<72x512xf32>
    %sub3A_152 = arith.subf %slice3A_108, %sub3A_151 : vector<72x512xf32>
    %abs3A_153 = math.absf %sub3A_152 : vector<72x512xf32>
    %mul3A_154 = arith.mulf %abs3A_153, %slice3A_109 : vector<72x512xf32>
    %reduce_sum3A_155 = arith.constant dense<0.000000e+00> : vector<512xf32>
    %reduce_sum3A_156 = vector.multi_reduction <add>, %mul3A_154, %reduce_sum3A_155 [0] : vector<72x512xf32> to vector<512xf32>
    %broadcast_in_dim3A_157 = vector.shape_cast %reduce_sum3A_156 : vector<512xf32> to vector<1x512xf32>
    %slice3A_158 = vector.extract_strided_slice %mul3A_103 {offsets = [0, 6], sizes = [72, 1], strides = [1, 1]} : vector<72x16xf32> to vector<72x1xf32>
    %sub3A_159 = vector.broadcast %slice3A_158 : vector<72x1xf32> to vector<72x512xf32>
    %sub3A_160 = arith.subf %slice3A_108, %sub3A_159 : vector<72x512xf32>
    %abs3A_161 = math.absf %sub3A_160 : vector<72x512xf32>
    %mul3A_162 = arith.mulf %abs3A_161, %slice3A_109 : vector<72x512xf32>
    %reduce_sum3A_163 = arith.constant dense<0.000000e+00> : vector<512xf32>
    %reduce_sum3A_164 = vector.multi_reduction <add>, %mul3A_162, %reduce_sum3A_163 [0] : vector<72x512xf32> to vector<512xf32>
    %broadcast_in_dim3A_165 = vector.shape_cast %reduce_sum3A_164 : vector<512xf32> to vector<1x512xf32>
    %slice3A_166 = vector.extract_strided_slice %mul3A_103 {offsets = [0, 7], sizes = [72, 1], strides = [1, 1]} : vector<72x16xf32> to vector<72x1xf32>
    %sub3A_167 = vector.broadcast %slice3A_166 : vector<72x1xf32> to vector<72x512xf32>
    %sub3A_168 = arith.subf %slice3A_108, %sub3A_167 : vector<72x512xf32>
    %abs3A_169 = math.absf %sub3A_168 : vector<72x512xf32>
    %mul3A_170 = arith.mulf %abs3A_169, %slice3A_109 : vector<72x512xf32>
    %reduce_sum3A_171 = arith.constant dense<0.000000e+00> : vector<512xf32>
    %reduce_sum3A_172 = vector.multi_reduction <add>, %mul3A_170, %reduce_sum3A_171 [0] : vector<72x512xf32> to vector<512xf32>
    %broadcast_in_dim3A_173 = vector.shape_cast %reduce_sum3A_172 : vector<512xf32> to vector<1x512xf32>
    %slice3A_174 = vector.extract_strided_slice %mul3A_103 {offsets = [0, 8], sizes = [72, 1], strides = [1, 1]} : vector<72x16xf32> to vector<72x1xf32>
    %sub3A_175 = vector.broadcast %slice3A_174 : vector<72x1xf32> to vector<72x512xf32>
    %sub3A_176 = arith.subf %slice3A_108, %sub3A_175 : vector<72x512xf32>
    %abs3A_177 = math.absf %sub3A_176 : vector<72x512xf32>
    %mul3A_178 = arith.mulf %abs3A_177, %slice3A_109 : vector<72x512xf32>
    %reduce_sum3A_179 = arith.constant dense<0.000000e+00> : vector<512xf32>
    %reduce_sum3A_180 = vector.multi_reduction <add>, %mul3A_178, %reduce_sum3A_179 [0] : vector<72x512xf32> to vector<512xf32>
    %broadcast_in_dim3A_181 = vector.shape_cast %reduce_sum3A_180 : vector<512xf32> to vector<1x512xf32>
    %slice3A_182 = vector.extract_strided_slice %mul3A_103 {offsets = [0, 9], sizes = [72, 1], strides = [1, 1]} : vector<72x16xf32> to vector<72x1xf32>
    %sub3A_183 = vector.broadcast %slice3A_182 : vector<72x1xf32> to vector<72x512xf32>
    %sub3A_184 = arith.subf %slice3A_108, %sub3A_183 : vector<72x512xf32>
    %abs3A_185 = math.absf %sub3A_184 : vector<72x512xf32>
    %mul3A_186 = arith.mulf %abs3A_185, %slice3A_109 : vector<72x512xf32>
    %reduce_sum3A_187 = arith.constant dense<0.000000e+00> : vector<512xf32>
    %reduce_sum3A_188 = vector.multi_reduction <add>, %mul3A_186, %reduce_sum3A_187 [0] : vector<72x512xf32> to vector<512xf32>
    %broadcast_in_dim3A_189 = vector.shape_cast %reduce_sum3A_188 : vector<512xf32> to vector<1x512xf32>
    %slice3A_190 = vector.extract_strided_slice %mul3A_103 {offsets = [0, 10], sizes = [72, 1], strides = [1, 1]} : vector<72x16xf32> to vector<72x1xf32>
    %sub3A_191 = vector.broadcast %slice3A_190 : vector<72x1xf32> to vector<72x512xf32>
    %sub3A_192 = arith.subf %slice3A_108, %sub3A_191 : vector<72x512xf32>
    %abs3A_193 = math.absf %sub3A_192 : vector<72x512xf32>
    %mul3A_194 = arith.mulf %abs3A_193, %slice3A_109 : vector<72x512xf32>
    %reduce_sum3A_195 = arith.constant dense<0.000000e+00> : vector<512xf32>
    %reduce_sum3A_196 = vector.multi_reduction <add>, %mul3A_194, %reduce_sum3A_195 [0] : vector<72x512xf32> to vector<512xf32>
    %broadcast_in_dim3A_197 = vector.shape_cast %reduce_sum3A_196 : vector<512xf32> to vector<1x512xf32>
    %slice3A_198 = vector.extract_strided_slice %mul3A_103 {offsets = [0, 11], sizes = [72, 1], strides = [1, 1]} : vector<72x16xf32> to vector<72x1xf32>
    %sub3A_199 = vector.broadcast %slice3A_198 : vector<72x1xf32> to vector<72x512xf32>
    %sub3A_200 = arith.subf %slice3A_108, %sub3A_199 : vector<72x512xf32>
    %abs3A_201 = math.absf %sub3A_200 : vector<72x512xf32>
    %mul3A_202 = arith.mulf %abs3A_201, %slice3A_109 : vector<72x512xf32>
    %reduce_sum3A_203 = arith.constant dense<0.000000e+00> : vector<512xf32>
    %reduce_sum3A_204 = vector.multi_reduction <add>, %mul3A_202, %reduce_sum3A_203 [0] : vector<72x512xf32> to vector<512xf32>
    %broadcast_in_dim3A_205 = vector.shape_cast %reduce_sum3A_204 : vector<512xf32> to vector<1x512xf32>
    %slice3A_206 = vector.extract_strided_slice %mul3A_103 {offsets = [0, 12], sizes = [72, 1], strides = [1, 1]} : vector<72x16xf32> to vector<72x1xf32>
    %sub3A_207 = vector.broadcast %slice3A_206 : vector<72x1xf32> to vector<72x512xf32>
    %sub3A_208 = arith.subf %slice3A_108, %sub3A_207 : vector<72x512xf32>
    %abs3A_209 = math.absf %sub3A_208 : vector<72x512xf32>
    %mul3A_210 = arith.mulf %abs3A_209, %slice3A_109 : vector<72x512xf32>
    %reduce_sum3A_211 = arith.constant dense<0.000000e+00> : vector<512xf32>
    %reduce_sum3A_212 = vector.multi_reduction <add>, %mul3A_210, %reduce_sum3A_211 [0] : vector<72x512xf32> to vector<512xf32>
    %broadcast_in_dim3A_213 = vector.shape_cast %reduce_sum3A_212 : vector<512xf32> to vector<1x512xf32>
    %slice3A_214 = vector.extract_strided_slice %mul3A_103 {offsets = [0, 13], sizes = [72, 1], strides = [1, 1]} : vector<72x16xf32> to vector<72x1xf32>
    %sub3A_215 = vector.broadcast %slice3A_214 : vector<72x1xf32> to vector<72x512xf32>
    %sub3A_216 = arith.subf %slice3A_108, %sub3A_215 : vector<72x512xf32>
    %abs3A_217 = math.absf %sub3A_216 : vector<72x512xf32>
    %mul3A_218 = arith.mulf %abs3A_217, %slice3A_109 : vector<72x512xf32>
    %reduce_sum3A_219 = arith.constant dense<0.000000e+00> : vector<512xf32>
    %reduce_sum3A_220 = vector.multi_reduction <add>, %mul3A_218, %reduce_sum3A_219 [0] : vector<72x512xf32> to vector<512xf32>
    %broadcast_in_dim3A_221 = vector.shape_cast %reduce_sum3A_220 : vector<512xf32> to vector<1x512xf32>
    %slice3A_222 = vector.extract_strided_slice %mul3A_103 {offsets = [0, 14], sizes = [72, 1], strides = [1, 1]} : vector<72x16xf32> to vector<72x1xf32>
    %sub3A_223 = vector.broadcast %slice3A_222 : vector<72x1xf32> to vector<72x512xf32>
    %sub3A_224 = arith.subf %slice3A_108, %sub3A_223 : vector<72x512xf32>
    %abs3A_225 = math.absf %sub3A_224 : vector<72x512xf32>
    %mul3A_226 = arith.mulf %abs3A_225, %slice3A_109 : vector<72x512xf32>
    %reduce_sum3A_227 = arith.constant dense<0.000000e+00> : vector<512xf32>
    %reduce_sum3A_228 = vector.multi_reduction <add>, %mul3A_226, %reduce_sum3A_227 [0] : vector<72x512xf32> to vector<512xf32>
    %broadcast_in_dim3A_229 = vector.shape_cast %reduce_sum3A_228 : vector<512xf32> to vector<1x512xf32>
    %slice3A_230 = vector.extract_strided_slice %mul3A_103 {offsets = [0, 15], sizes = [72, 1], strides = [1, 1]} : vector<72x16xf32> to vector<72x1xf32>
    %sub3A_231 = vector.broadcast %slice3A_230 : vector<72x1xf32> to vector<72x512xf32>
    %sub3A_232 = arith.subf %slice3A_108, %sub3A_231 : vector<72x512xf32>
    %abs3A_233 = math.absf %sub3A_232 : vector<72x512xf32>
    %mul3A_234 = arith.mulf %abs3A_233, %slice3A_109 : vector<72x512xf32>
    %reduce_sum3A_235 = arith.constant dense<0.000000e+00> : vector<512xf32>
    %reduce_sum3A_236 = vector.multi_reduction <add>, %mul3A_234, %reduce_sum3A_235 [0] : vector<72x512xf32> to vector<512xf32>
    %broadcast_in_dim3A_237 = vector.shape_cast %reduce_sum3A_236 : vector<512xf32> to vector<1x512xf32>
    %concatenate3A = tpu.concatenate %broadcast_in_dim3A_117, %broadcast_in_dim3A_125, %broadcast_in_dim3A_133, %broadcast_in_dim3A_141, %broadcast_in_dim3A_149, %broadcast_in_dim3A_157, %broadcast_in_dim3A_165, %broadcast_in_dim3A_173, %broadcast_in_dim3A_181, %broadcast_in_dim3A_189, %broadcast_in_dim3A_197, %broadcast_in_dim3A_205, %broadcast_in_dim3A_213, %broadcast_in_dim3A_221, %broadcast_in_dim3A_229, %broadcast_in_dim3A_237 in 0 : vector<1x512xf32>, vector<1x512xf32>, vector<1x512xf32>, vector<1x512xf32>, vector<1x512xf32>, vector<1x512xf32>, vector<1x512xf32>, vector<1x512xf32>, vector<1x512xf32>, vector<1x512xf32>, vector<1x512xf32>, vector<1x512xf32>, vector<1x512xf32>, vector<1x512xf32>, vector<1x512xf32>, vector<1x512xf32> -> vector<16x512xf32>
    %slice3A_238 = vector.extract_strided_slice %mul3A_99 {offsets = [0, 512], sizes = [72, 512], strides = [1, 1]} : vector<72x4096xf32> to vector<72x512xf32>
    %slice3A_239 = vector.extract_strided_slice %convert_element_type3A_95 {offsets = [0, 512], sizes = [72, 512], strides = [1, 1]} : vector<72x4096xf32> to vector<72x512xf32>
    %slice3A_240 = vector.extract_strided_slice %mul3A_103 {offsets = [0, 0], sizes = [72, 1], strides = [1, 1]} : vector<72x16xf32> to vector<72x1xf32>
    %sub3A_241 = vector.broadcast %slice3A_240 : vector<72x1xf32> to vector<72x512xf32>
    %sub3A_242 = arith.subf %slice3A_238, %sub3A_241 : vector<72x512xf32>
    %abs3A_243 = math.absf %sub3A_242 : vector<72x512xf32>
    %mul3A_244 = arith.mulf %abs3A_243, %slice3A_239 : vector<72x512xf32>
    %reduce_sum3A_245 = arith.constant dense<0.000000e+00> : vector<512xf32>
    %reduce_sum3A_246 = vector.multi_reduction <add>, %mul3A_244, %reduce_sum3A_245 [0] : vector<72x512xf32> to vector<512xf32>
    %broadcast_in_dim3A_247 = vector.shape_cast %reduce_sum3A_246 : vector<512xf32> to vector<1x512xf32>
    %slice3A_248 = vector.extract_strided_slice %mul3A_103 {offsets = [0, 1], sizes = [72, 1], strides = [1, 1]} : vector<72x16xf32> to vector<72x1xf32>
    %sub3A_249 = vector.broadcast %slice3A_248 : vector<72x1xf32> to vector<72x512xf32>
    %sub3A_250 = arith.subf %slice3A_238, %sub3A_249 : vector<72x512xf32>
    %abs3A_251 = math.absf %sub3A_250 : vector<72x512xf32>
    %mul3A_252 = arith.mulf %abs3A_251, %slice3A_239 : vector<72x512xf32>
    %reduce_sum3A_253 = arith.constant dense<0.000000e+00> : vector<512xf32>
    %reduce_sum3A_254 = vector.multi_reduction <add>, %mul3A_252, %reduce_sum3A_253 [0] : vector<72x512xf32> to vector<512xf32>
    %broadcast_in_dim3A_255 = vector.shape_cast %reduce_sum3A_254 : vector<512xf32> to vector<1x512xf32>
    %slice3A_256 = vector.extract_strided_slice %mul3A_103 {offsets = [0, 2], sizes = [72, 1], strides = [1, 1]} : vector<72x16xf32> to vector<72x1xf32>
    %sub3A_257 = vector.broadcast %slice3A_256 : vector<72x1xf32> to vector<72x512xf32>
    %sub3A_258 = arith.subf %slice3A_238, %sub3A_257 : vector<72x512xf32>
    %abs3A_259 = math.absf %sub3A_258 : vector<72x512xf32>
    %mul3A_260 = arith.mulf %abs3A_259, %slice3A_239 : vector<72x512xf32>
    %reduce_sum3A_261 = arith.constant dense<0.000000e+00> : vector<512xf32>
    %reduce_sum3A_262 = vector.multi_reduction <add>, %mul3A_260, %reduce_sum3A_261 [0] : vector<72x512xf32> to vector<512xf32>
    %broadcast_in_dim3A_263 = vector.shape_cast %reduce_sum3A_262 : vector<512xf32> to vector<1x512xf32>
    %slice3A_264 = vector.extract_strided_slice %mul3A_103 {offsets = [0, 3], sizes = [72, 1], strides = [1, 1]} : vector<72x16xf32> to vector<72x1xf32>
    %sub3A_265 = vector.broadcast %slice3A_264 : vector<72x1xf32> to vector<72x512xf32>
    %sub3A_266 = arith.subf %slice3A_238, %sub3A_265 : vector<72x512xf32>
    %abs3A_267 = math.absf %sub3A_266 : vector<72x512xf32>
    %mul3A_268 = arith.mulf %abs3A_267, %slice3A_239 : vector<72x512xf32>
    %reduce_sum3A_269 = arith.constant dense<0.000000e+00> : vector<512xf32>
    %reduce_sum3A_270 = vector.multi_reduction <add>, %mul3A_268, %reduce_sum3A_269 [0] : vector<72x512xf32> to vector<512xf32>
    %broadcast_in_dim3A_271 = vector.shape_cast %reduce_sum3A_270 : vector<512xf32> to vector<1x512xf32>
    %slice3A_272 = vector.extract_strided_slice %mul3A_103 {offsets = [0, 4], sizes = [72, 1], strides = [1, 1]} : vector<72x16xf32> to vector<72x1xf32>
    %sub3A_273 = vector.broadcast %slice3A_272 : vector<72x1xf32> to vector<72x512xf32>
    %sub3A_274 = arith.subf %slice3A_238, %sub3A_273 : vector<72x512xf32>
    %abs3A_275 = math.absf %sub3A_274 : vector<72x512xf32>
    %mul3A_276 = arith.mulf %abs3A_275, %slice3A_239 : vector<72x512xf32>
    %reduce_sum3A_277 = arith.constant dense<0.000000e+00> : vector<512xf32>
    %reduce_sum3A_278 = vector.multi_reduction <add>, %mul3A_276, %reduce_sum3A_277 [0] : vector<72x512xf32> to vector<512xf32>
    %broadcast_in_dim3A_279 = vector.shape_cast %reduce_sum3A_278 : vector<512xf32> to vector<1x512xf32>
    %slice3A_280 = vector.extract_strided_slice %mul3A_103 {offsets = [0, 5], sizes = [72, 1], strides = [1, 1]} : vector<72x16xf32> to vector<72x1xf32>
    %sub3A_281 = vector.broadcast %slice3A_280 : vector<72x1xf32> to vector<72x512xf32>
    %sub3A_282 = arith.subf %slice3A_238, %sub3A_281 : vector<72x512xf32>
    %abs3A_283 = math.absf %sub3A_282 : vector<72x512xf32>
    %mul3A_284 = arith.mulf %abs3A_283, %slice3A_239 : vector<72x512xf32>
    %reduce_sum3A_285 = arith.constant dense<0.000000e+00> : vector<512xf32>
    %reduce_sum3A_286 = vector.multi_reduction <add>, %mul3A_284, %reduce_sum3A_285 [0] : vector<72x512xf32> to vector<512xf32>
    %broadcast_in_dim3A_287 = vector.shape_cast %reduce_sum3A_286 : vector<512xf32> to vector<1x512xf32>
    %slice3A_288 = vector.extract_strided_slice %mul3A_103 {offsets = [0, 6], sizes = [72, 1], strides = [1, 1]} : vector<72x16xf32> to vector<72x1xf32>
    %sub3A_289 = vector.broadcast %slice3A_288 : vector<72x1xf32> to vector<72x512xf32>
    %sub3A_290 = arith.subf %slice3A_238, %sub3A_289 : vector<72x512xf32>
    %abs3A_291 = math.absf %sub3A_290 : vector<72x512xf32>
    %mul3A_292 = arith.mulf %abs3A_291, %slice3A_239 : vector<72x512xf32>
    %reduce_sum3A_293 = arith.constant dense<0.000000e+00> : vector<512xf32>
    %reduce_sum3A_294 = vector.multi_reduction <add>, %mul3A_292, %reduce_sum3A_293 [0] : vector<72x512xf32> to vector<512xf32>
    %broadcast_in_dim3A_295 = vector.shape_cast %reduce_sum3A_294 : vector<512xf32> to vector<1x512xf32>
    %slice3A_296 = vector.extract_strided_slice %mul3A_103 {offsets = [0, 7], sizes = [72, 1], strides = [1, 1]} : vector<72x16xf32> to vector<72x1xf32>
    %sub3A_297 = vector.broadcast %slice3A_296 : vector<72x1xf32> to vector<72x512xf32>
    %sub3A_298 = arith.subf %slice3A_238, %sub3A_297 : vector<72x512xf32>
    %abs3A_299 = math.absf %sub3A_298 : vector<72x512xf32>
    %mul3A_300 = arith.mulf %abs3A_299, %slice3A_239 : vector<72x512xf32>
    %reduce_sum3A_301 = arith.constant dense<0.000000e+00> : vector<512xf32>
    %reduce_sum3A_302 = vector.multi_reduction <add>, %mul3A_300, %reduce_sum3A_301 [0] : vector<72x512xf32> to vector<512xf32>
    %broadcast_in_dim3A_303 = vector.shape_cast %reduce_sum3A_302 : vector<512xf32> to vector<1x512xf32>
    %slice3A_304 = vector.extract_strided_slice %mul3A_103 {offsets = [0, 8], sizes = [72, 1], strides = [1, 1]} : vector<72x16xf32> to vector<72x1xf32>
    %sub3A_305 = vector.broadcast %slice3A_304 : vector<72x1xf32> to vector<72x512xf32>
    %sub3A_306 = arith.subf %slice3A_238, %sub3A_305 : vector<72x512xf32>
    %abs3A_307 = math.absf %sub3A_306 : vector<72x512xf32>
    %mul3A_308 = arith.mulf %abs3A_307, %slice3A_239 : vector<72x512xf32>
    %reduce_sum3A_309 = arith.constant dense<0.000000e+00> : vector<512xf32>
    %reduce_sum3A_310 = vector.multi_reduction <add>, %mul3A_308, %reduce_sum3A_309 [0] : vector<72x512xf32> to vector<512xf32>
    %broadcast_in_dim3A_311 = vector.shape_cast %reduce_sum3A_310 : vector<512xf32> to vector<1x512xf32>
    %slice3A_312 = vector.extract_strided_slice %mul3A_103 {offsets = [0, 9], sizes = [72, 1], strides = [1, 1]} : vector<72x16xf32> to vector<72x1xf32>
    %sub3A_313 = vector.broadcast %slice3A_312 : vector<72x1xf32> to vector<72x512xf32>
    %sub3A_314 = arith.subf %slice3A_238, %sub3A_313 : vector<72x512xf32>
    %abs3A_315 = math.absf %sub3A_314 : vector<72x512xf32>
    %mul3A_316 = arith.mulf %abs3A_315, %slice3A_239 : vector<72x512xf32>
    %reduce_sum3A_317 = arith.constant dense<0.000000e+00> : vector<512xf32>
    %reduce_sum3A_318 = vector.multi_reduction <add>, %mul3A_316, %reduce_sum3A_317 [0] : vector<72x512xf32> to vector<512xf32>
    %broadcast_in_dim3A_319 = vector.shape_cast %reduce_sum3A_318 : vector<512xf32> to vector<1x512xf32>
    %slice3A_320 = vector.extract_strided_slice %mul3A_103 {offsets = [0, 10], sizes = [72, 1], strides = [1, 1]} : vector<72x16xf32> to vector<72x1xf32>
    %sub3A_321 = vector.broadcast %slice3A_320 : vector<72x1xf32> to vector<72x512xf32>
    %sub3A_322 = arith.subf %slice3A_238, %sub3A_321 : vector<72x512xf32>
    %abs3A_323 = math.absf %sub3A_322 : vector<72x512xf32>
    %mul3A_324 = arith.mulf %abs3A_323, %slice3A_239 : vector<72x512xf32>
    %reduce_sum3A_325 = arith.constant dense<0.000000e+00> : vector<512xf32>
    %reduce_sum3A_326 = vector.multi_reduction <add>, %mul3A_324, %reduce_sum3A_325 [0] : vector<72x512xf32> to vector<512xf32>
    %broadcast_in_dim3A_327 = vector.shape_cast %reduce_sum3A_326 : vector<512xf32> to vector<1x512xf32>
    %slice3A_328 = vector.extract_strided_slice %mul3A_103 {offsets = [0, 11], sizes = [72, 1], strides = [1, 1]} : vector<72x16xf32> to vector<72x1xf32>
    %sub3A_329 = vector.broadcast %slice3A_328 : vector<72x1xf32> to vector<72x512xf32>
    %sub3A_330 = arith.subf %slice3A_238, %sub3A_329 : vector<72x512xf32>
    %abs3A_331 = math.absf %sub3A_330 : vector<72x512xf32>
    %mul3A_332 = arith.mulf %abs3A_331, %slice3A_239 : vector<72x512xf32>
    %reduce_sum3A_333 = arith.constant dense<0.000000e+00> : vector<512xf32>
    %reduce_sum3A_334 = vector.multi_reduction <add>, %mul3A_332, %reduce_sum3A_333 [0] : vector<72x512xf32> to vector<512xf32>
    %broadcast_in_dim3A_335 = vector.shape_cast %reduce_sum3A_334 : vector<512xf32> to vector<1x512xf32>
    %slice3A_336 = vector.extract_strided_slice %mul3A_103 {offsets = [0, 12], sizes = [72, 1], strides = [1, 1]} : vector<72x16xf32> to vector<72x1xf32>
    %sub3A_337 = vector.broadcast %slice3A_336 : vector<72x1xf32> to vector<72x512xf32>
    %sub3A_338 = arith.subf %slice3A_238, %sub3A_337 : vector<72x512xf32>
    %abs3A_339 = math.absf %sub3A_338 : vector<72x512xf32>
    %mul3A_340 = arith.mulf %abs3A_339, %slice3A_239 : vector<72x512xf32>
    %reduce_sum3A_341 = arith.constant dense<0.000000e+00> : vector<512xf32>
    %reduce_sum3A_342 = vector.multi_reduction <add>, %mul3A_340, %reduce_sum3A_341 [0] : vector<72x512xf32> to vector<512xf32>
    %broadcast_in_dim3A_343 = vector.shape_cast %reduce_sum3A_342 : vector<512xf32> to vector<1x512xf32>
    %slice3A_344 = vector.extract_strided_slice %mul3A_103 {offsets = [0, 13], sizes = [72, 1], strides = [1, 1]} : vector<72x16xf32> to vector<72x1xf32>
    %sub3A_345 = vector.broadcast %slice3A_344 : vector<72x1xf32> to vector<72x512xf32>
    %sub3A_346 = arith.subf %slice3A_238, %sub3A_345 : vector<72x512xf32>
    %abs3A_347 = math.absf %sub3A_346 : vector<72x512xf32>
    %mul3A_348 = arith.mulf %abs3A_347, %slice3A_239 : vector<72x512xf32>
    %reduce_sum3A_349 = arith.constant dense<0.000000e+00> : vector<512xf32>
    %reduce_sum3A_350 = vector.multi_reduction <add>, %mul3A_348, %reduce_sum3A_349 [0] : vector<72x512xf32> to vector<512xf32>
    %broadcast_in_dim3A_351 = vector.shape_cast %reduce_sum3A_350 : vector<512xf32> to vector<1x512xf32>
    %slice3A_352 = vector.extract_strided_slice %mul3A_103 {offsets = [0, 14], sizes = [72, 1], strides = [1, 1]} : vector<72x16xf32> to vector<72x1xf32>
    %sub3A_353 = vector.broadcast %slice3A_352 : vector<72x1xf32> to vector<72x512xf32>
    %sub3A_354 = arith.subf %slice3A_238, %sub3A_353 : vector<72x512xf32>
    %abs3A_355 = math.absf %sub3A_354 : vector<72x512xf32>
    %mul3A_356 = arith.mulf %abs3A_355, %slice3A_239 : vector<72x512xf32>
    %reduce_sum3A_357 = arith.constant dense<0.000000e+00> : vector<512xf32>
    %reduce_sum3A_358 = vector.multi_reduction <add>, %mul3A_356, %reduce_sum3A_357 [0] : vector<72x512xf32> to vector<512xf32>
    %broadcast_in_dim3A_359 = vector.shape_cast %reduce_sum3A_358 : vector<512xf32> to vector<1x512xf32>
    %slice3A_360 = vector.extract_strided_slice %mul3A_103 {offsets = [0, 15], sizes = [72, 1], strides = [1, 1]} : vector<72x16xf32> to vector<72x1xf32>
    %sub3A_361 = vector.broadcast %slice3A_360 : vector<72x1xf32> to vector<72x512xf32>
    %sub3A_362 = arith.subf %slice3A_238, %sub3A_361 : vector<72x512xf32>
    %abs3A_363 = math.absf %sub3A_362 : vector<72x512xf32>
    %mul3A_364 = arith.mulf %abs3A_363, %slice3A_239 : vector<72x512xf32>
    %reduce_sum3A_365 = arith.constant dense<0.000000e+00> : vector<512xf32>
    %reduce_sum3A_366 = vector.multi_reduction <add>, %mul3A_364, %reduce_sum3A_365 [0] : vector<72x512xf32> to vector<512xf32>
    %broadcast_in_dim3A_367 = vector.shape_cast %reduce_sum3A_366 : vector<512xf32> to vector<1x512xf32>
    %concatenate3A_368 = tpu.concatenate %broadcast_in_dim3A_247, %broadcast_in_dim3A_255, %broadcast_in_dim3A_263, %broadcast_in_dim3A_271, %broadcast_in_dim3A_279, %broadcast_in_dim3A_287, %broadcast_in_dim3A_295, %broadcast_in_dim3A_303, %broadcast_in_dim3A_311, %broadcast_in_dim3A_319, %broadcast_in_dim3A_327, %broadcast_in_dim3A_335, %broadcast_in_dim3A_343, %broadcast_in_dim3A_351, %broadcast_in_dim3A_359, %broadcast_in_dim3A_367 in 0 : vector<1x512xf32>, vector<1x512xf32>, vector<1x512xf32>, vector<1x512xf32>, vector<1x512xf32>, vector<1x512xf32>, vector<1x512xf32>, vector<1x512xf32>, vector<1x512xf32>, vector<1x512xf32>, vector<1x512xf32>, vector<1x512xf32>, vector<1x512xf32>, vector<1x512xf32>, vector<1x512xf32>, vector<1x512xf32> -> vector<16x512xf32>
    %slice3A_369 = vector.extract_strided_slice %mul3A_99 {offsets = [0, 1024], sizes = [72, 512], strides = [1, 1]} : vector<72x4096xf32> to vector<72x512xf32>
    %slice3A_370 = vector.extract_strided_slice %convert_element_type3A_95 {offsets = [0, 1024], sizes = [72, 512], strides = [1, 1]} : vector<72x4096xf32> to vector<72x512xf32>
    %slice3A_371 = vector.extract_strided_slice %mul3A_103 {offsets = [0, 0], sizes = [72, 1], strides = [1, 1]} : vector<72x16xf32> to vector<72x1xf32>
    %sub3A_372 = vector.broadcast %slice3A_371 : vector<72x1xf32> to vector<72x512xf32>
    %sub3A_373 = arith.subf %slice3A_369, %sub3A_372 : vector<72x512xf32>
    %abs3A_374 = math.absf %sub3A_373 : vector<72x512xf32>
    %mul3A_375 = arith.mulf %abs3A_374, %slice3A_370 : vector<72x512xf32>
    %reduce_sum3A_376 = arith.constant dense<0.000000e+00> : vector<512xf32>
    %reduce_sum3A_377 = vector.multi_reduction <add>, %mul3A_375, %reduce_sum3A_376 [0] : vector<72x512xf32> to vector<512xf32>
    %broadcast_in_dim3A_378 = vector.shape_cast %reduce_sum3A_377 : vector<512xf32> to vector<1x512xf32>
    %slice3A_379 = vector.extract_strided_slice %mul3A_103 {offsets = [0, 1], sizes = [72, 1], strides = [1, 1]} : vector<72x16xf32> to vector<72x1xf32>
    %sub3A_380 = vector.broadcast %slice3A_379 : vector<72x1xf32> to vector<72x512xf32>
    %sub3A_381 = arith.subf %slice3A_369, %sub3A_380 : vector<72x512xf32>
    %abs3A_382 = math.absf %sub3A_381 : vector<72x512xf32>
    %mul3A_383 = arith.mulf %abs3A_382, %slice3A_370 : vector<72x512xf32>
    %reduce_sum3A_384 = arith.constant dense<0.000000e+00> : vector<512xf32>
    %reduce_sum3A_385 = vector.multi_reduction <add>, %mul3A_383, %reduce_sum3A_384 [0] : vector<72x512xf32> to vector<512xf32>
    %broadcast_in_dim3A_386 = vector.shape_cast %reduce_sum3A_385 : vector<512xf32> to vector<1x512xf32>
    %slice3A_387 = vector.extract_strided_slice %mul3A_103 {offsets = [0, 2], sizes = [72, 1], strides = [1, 1]} : vector<72x16xf32> to vector<72x1xf32>
    %sub3A_388 = vector.broadcast %slice3A_387 : vector<72x1xf32> to vector<72x512xf32>
    %sub3A_389 = arith.subf %slice3A_369, %sub3A_388 : vector<72x512xf32>
    %abs3A_390 = math.absf %sub3A_389 : vector<72x512xf32>
    %mul3A_391 = arith.mulf %abs3A_390, %slice3A_370 : vector<72x512xf32>
    %reduce_sum3A_392 = arith.constant dense<0.000000e+00> : vector<512xf32>
    %reduce_sum3A_393 = vector.multi_reduction <add>, %mul3A_391, %reduce_sum3A_392 [0] : vector<72x512xf32> to vector<512xf32>
    %broadcast_in_dim3A_394 = vector.shape_cast %reduce_sum3A_393 : vector<512xf32> to vector<1x512xf32>
    %slice3A_395 = vector.extract_strided_slice %mul3A_103 {offsets = [0, 3], sizes = [72, 1], strides = [1, 1]} : vector<72x16xf32> to vector<72x1xf32>
    %sub3A_396 = vector.broadcast %slice3A_395 : vector<72x1xf32> to vector<72x512xf32>
    %sub3A_397 = arith.subf %slice3A_369, %sub3A_396 : vector<72x512xf32>
    %abs3A_398 = math.absf %sub3A_397 : vector<72x512xf32>
    %mul3A_399 = arith.mulf %abs3A_398, %slice3A_370 : vector<72x512xf32>
    %reduce_sum3A_400 = arith.constant dense<0.000000e+00> : vector<512xf32>
    %reduce_sum3A_401 = vector.multi_reduction <add>, %mul3A_399, %reduce_sum3A_400 [0] : vector<72x512xf32> to vector<512xf32>
    %broadcast_in_dim3A_402 = vector.shape_cast %reduce_sum3A_401 : vector<512xf32> to vector<1x512xf32>
    %slice3A_403 = vector.extract_strided_slice %mul3A_103 {offsets = [0, 4], sizes = [72, 1], strides = [1, 1]} : vector<72x16xf32> to vector<72x1xf32>
    %sub3A_404 = vector.broadcast %slice3A_403 : vector<72x1xf32> to vector<72x512xf32>
    %sub3A_405 = arith.subf %slice3A_369, %sub3A_404 : vector<72x512xf32>
    %abs3A_406 = math.absf %sub3A_405 : vector<72x512xf32>
    %mul3A_407 = arith.mulf %abs3A_406, %slice3A_370 : vector<72x512xf32>
    %reduce_sum3A_408 = arith.constant dense<0.000000e+00> : vector<512xf32>
    %reduce_sum3A_409 = vector.multi_reduction <add>, %mul3A_407, %reduce_sum3A_408 [0] : vector<72x512xf32> to vector<512xf32>
    %broadcast_in_dim3A_410 = vector.shape_cast %reduce_sum3A_409 : vector<512xf32> to vector<1x512xf32>
    %slice3A_411 = vector.extract_strided_slice %mul3A_103 {offsets = [0, 5], sizes = [72, 1], strides = [1, 1]} : vector<72x16xf32> to vector<72x1xf32>
    %sub3A_412 = vector.broadcast %slice3A_411 : vector<72x1xf32> to vector<72x512xf32>
    %sub3A_413 = arith.subf %slice3A_369, %sub3A_412 : vector<72x512xf32>
    %abs3A_414 = math.absf %sub3A_413 : vector<72x512xf32>
    %mul3A_415 = arith.mulf %abs3A_414, %slice3A_370 : vector<72x512xf32>
    %reduce_sum3A_416 = arith.constant dense<0.000000e+00> : vector<512xf32>
    %reduce_sum3A_417 = vector.multi_reduction <add>, %mul3A_415, %reduce_sum3A_416 [0] : vector<72x512xf32> to vector<512xf32>
    %broadcast_in_dim3A_418 = vector.shape_cast %reduce_sum3A_417 : vector<512xf32> to vector<1x512xf32>
    %slice3A_419 = vector.extract_strided_slice %mul3A_103 {offsets = [0, 6], sizes = [72, 1], strides = [1, 1]} : vector<72x16xf32> to vector<72x1xf32>
    %sub3A_420 = vector.broadcast %slice3A_419 : vector<72x1xf32> to vector<72x512xf32>
    %sub3A_421 = arith.subf %slice3A_369, %sub3A_420 : vector<72x512xf32>
    %abs3A_422 = math.absf %sub3A_421 : vector<72x512xf32>
    %mul3A_423 = arith.mulf %abs3A_422, %slice3A_370 : vector<72x512xf32>
    %reduce_sum3A_424 = arith.constant dense<0.000000e+00> : vector<512xf32>
    %reduce_sum3A_425 = vector.multi_reduction <add>, %mul3A_423, %reduce_sum3A_424 [0] : vector<72x512xf32> to vector<512xf32>
    %broadcast_in_dim3A_426 = vector.shape_cast %reduce_sum3A_425 : vector<512xf32> to vector<1x512xf32>
    %slice3A_427 = vector.extract_strided_slice %mul3A_103 {offsets = [0, 7], sizes = [72, 1], strides = [1, 1]} : vector<72x16xf32> to vector<72x1xf32>
    %sub3A_428 = vector.broadcast %slice3A_427 : vector<72x1xf32> to vector<72x512xf32>
    %sub3A_429 = arith.subf %slice3A_369, %sub3A_428 : vector<72x512xf32>
    %abs3A_430 = math.absf %sub3A_429 : vector<72x512xf32>
    %mul3A_431 = arith.mulf %abs3A_430, %slice3A_370 : vector<72x512xf32>
    %reduce_sum3A_432 = arith.constant dense<0.000000e+00> : vector<512xf32>
    %reduce_sum3A_433 = vector.multi_reduction <add>, %mul3A_431, %reduce_sum3A_432 [0] : vector<72x512xf32> to vector<512xf32>
    %broadcast_in_dim3A_434 = vector.shape_cast %reduce_sum3A_433 : vector<512xf32> to vector<1x512xf32>
    %slice3A_435 = vector.extract_strided_slice %mul3A_103 {offsets = [0, 8], sizes = [72, 1], strides = [1, 1]} : vector<72x16xf32> to vector<72x1xf32>
    %sub3A_436 = vector.broadcast %slice3A_435 : vector<72x1xf32> to vector<72x512xf32>
    %sub3A_437 = arith.subf %slice3A_369, %sub3A_436 : vector<72x512xf32>
    %abs3A_438 = math.absf %sub3A_437 : vector<72x512xf32>
    %mul3A_439 = arith.mulf %abs3A_438, %slice3A_370 : vector<72x512xf32>
    %reduce_sum3A_440 = arith.constant dense<0.000000e+00> : vector<512xf32>
    %reduce_sum3A_441 = vector.multi_reduction <add>, %mul3A_439, %reduce_sum3A_440 [0] : vector<72x512xf32> to vector<512xf32>
    %broadcast_in_dim3A_442 = vector.shape_cast %reduce_sum3A_441 : vector<512xf32> to vector<1x512xf32>
    %slice3A_443 = vector.extract_strided_slice %mul3A_103 {offsets = [0, 9], sizes = [72, 1], strides = [1, 1]} : vector<72x16xf32> to vector<72x1xf32>
    %sub3A_444 = vector.broadcast %slice3A_443 : vector<72x1xf32> to vector<72x512xf32>
    %sub3A_445 = arith.subf %slice3A_369, %sub3A_444 : vector<72x512xf32>
    %abs3A_446 = math.absf %sub3A_445 : vector<72x512xf32>
    %mul3A_447 = arith.mulf %abs3A_446, %slice3A_370 : vector<72x512xf32>
    %reduce_sum3A_448 = arith.constant dense<0.000000e+00> : vector<512xf32>
    %reduce_sum3A_449 = vector.multi_reduction <add>, %mul3A_447, %reduce_sum3A_448 [0] : vector<72x512xf32> to vector<512xf32>
    %broadcast_in_dim3A_450 = vector.shape_cast %reduce_sum3A_449 : vector<512xf32> to vector<1x512xf32>
    %slice3A_451 = vector.extract_strided_slice %mul3A_103 {offsets = [0, 10], sizes = [72, 1], strides = [1, 1]} : vector<72x16xf32> to vector<72x1xf32>
    %sub3A_452 = vector.broadcast %slice3A_451 : vector<72x1xf32> to vector<72x512xf32>
    %sub3A_453 = arith.subf %slice3A_369, %sub3A_452 : vector<72x512xf32>
    %abs3A_454 = math.absf %sub3A_453 : vector<72x512xf32>
    %mul3A_455 = arith.mulf %abs3A_454, %slice3A_370 : vector<72x512xf32>
    %reduce_sum3A_456 = arith.constant dense<0.000000e+00> : vector<512xf32>
    %reduce_sum3A_457 = vector.multi_reduction <add>, %mul3A_455, %reduce_sum3A_456 [0] : vector<72x512xf32> to vector<512xf32>
    %broadcast_in_dim3A_458 = vector.shape_cast %reduce_sum3A_457 : vector<512xf32> to vector<1x512xf32>
    %slice3A_459 = vector.extract_strided_slice %mul3A_103 {offsets = [0, 11], sizes = [72, 1], strides = [1, 1]} : vector<72x16xf32> to vector<72x1xf32>
    %sub3A_460 = vector.broadcast %slice3A_459 : vector<72x1xf32> to vector<72x512xf32>
    %sub3A_461 = arith.subf %slice3A_369, %sub3A_460 : vector<72x512xf32>
    %abs3A_462 = math.absf %sub3A_461 : vector<72x512xf32>
    %mul3A_463 = arith.mulf %abs3A_462, %slice3A_370 : vector<72x512xf32>
    %reduce_sum3A_464 = arith.constant dense<0.000000e+00> : vector<512xf32>
    %reduce_sum3A_465 = vector.multi_reduction <add>, %mul3A_463, %reduce_sum3A_464 [0] : vector<72x512xf32> to vector<512xf32>
    %broadcast_in_dim3A_466 = vector.shape_cast %reduce_sum3A_465 : vector<512xf32> to vector<1x512xf32>
    %slice3A_467 = vector.extract_strided_slice %mul3A_103 {offsets = [0, 12], sizes = [72, 1], strides = [1, 1]} : vector<72x16xf32> to vector<72x1xf32>
    %sub3A_468 = vector.broadcast %slice3A_467 : vector<72x1xf32> to vector<72x512xf32>
    %sub3A_469 = arith.subf %slice3A_369, %sub3A_468 : vector<72x512xf32>
    %abs3A_470 = math.absf %sub3A_469 : vector<72x512xf32>
    %mul3A_471 = arith.mulf %abs3A_470, %slice3A_370 : vector<72x512xf32>
    %reduce_sum3A_472 = arith.constant dense<0.000000e+00> : vector<512xf32>
    %reduce_sum3A_473 = vector.multi_reduction <add>, %mul3A_471, %reduce_sum3A_472 [0] : vector<72x512xf32> to vector<512xf32>
    %broadcast_in_dim3A_474 = vector.shape_cast %reduce_sum3A_473 : vector<512xf32> to vector<1x512xf32>
    %slice3A_475 = vector.extract_strided_slice %mul3A_103 {offsets = [0, 13], sizes = [72, 1], strides = [1, 1]} : vector<72x16xf32> to vector<72x1xf32>
    %sub3A_476 = vector.broadcast %slice3A_475 : vector<72x1xf32> to vector<72x512xf32>
    %sub3A_477 = arith.subf %slice3A_369, %sub3A_476 : vector<72x512xf32>
    %abs3A_478 = math.absf %sub3A_477 : vector<72x512xf32>
    %mul3A_479 = arith.mulf %abs3A_478, %slice3A_370 : vector<72x512xf32>
    %reduce_sum3A_480 = arith.constant dense<0.000000e+00> : vector<512xf32>
    %reduce_sum3A_481 = vector.multi_reduction <add>, %mul3A_479, %reduce_sum3A_480 [0] : vector<72x512xf32> to vector<512xf32>
    %broadcast_in_dim3A_482 = vector.shape_cast %reduce_sum3A_481 : vector<512xf32> to vector<1x512xf32>
    %slice3A_483 = vector.extract_strided_slice %mul3A_103 {offsets = [0, 14], sizes = [72, 1], strides = [1, 1]} : vector<72x16xf32> to vector<72x1xf32>
    %sub3A_484 = vector.broadcast %slice3A_483 : vector<72x1xf32> to vector<72x512xf32>
    %sub3A_485 = arith.subf %slice3A_369, %sub3A_484 : vector<72x512xf32>
    %abs3A_486 = math.absf %sub3A_485 : vector<72x512xf32>
    %mul3A_487 = arith.mulf %abs3A_486, %slice3A_370 : vector<72x512xf32>
    %reduce_sum3A_488 = arith.constant dense<0.000000e+00> : vector<512xf32>
    %reduce_sum3A_489 = vector.multi_reduction <add>, %mul3A_487, %reduce_sum3A_488 [0] : vector<72x512xf32> to vector<512xf32>
    %broadcast_in_dim3A_490 = vector.shape_cast %reduce_sum3A_489 : vector<512xf32> to vector<1x512xf32>
    %slice3A_491 = vector.extract_strided_slice %mul3A_103 {offsets = [0, 15], sizes = [72, 1], strides = [1, 1]} : vector<72x16xf32> to vector<72x1xf32>
    %sub3A_492 = vector.broadcast %slice3A_491 : vector<72x1xf32> to vector<72x512xf32>
    %sub3A_493 = arith.subf %slice3A_369, %sub3A_492 : vector<72x512xf32>
    %abs3A_494 = math.absf %sub3A_493 : vector<72x512xf32>
    %mul3A_495 = arith.mulf %abs3A_494, %slice3A_370 : vector<72x512xf32>
    %reduce_sum3A_496 = arith.constant dense<0.000000e+00> : vector<512xf32>
    %reduce_sum3A_497 = vector.multi_reduction <add>, %mul3A_495, %reduce_sum3A_496 [0] : vector<72x512xf32> to vector<512xf32>
    %broadcast_in_dim3A_498 = vector.shape_cast %reduce_sum3A_497 : vector<512xf32> to vector<1x512xf32>
    %concatenate3A_499 = tpu.concatenate %broadcast_in_dim3A_378, %broadcast_in_dim3A_386, %broadcast_in_dim3A_394, %broadcast_in_dim3A_402, %broadcast_in_dim3A_410, %broadcast_in_dim3A_418, %broadcast_in_dim3A_426, %broadcast_in_dim3A_434, %broadcast_in_dim3A_442, %broadcast_in_dim3A_450, %broadcast_in_dim3A_458, %broadcast_in_dim3A_466, %broadcast_in_dim3A_474, %broadcast_in_dim3A_482, %broadcast_in_dim3A_490, %broadcast_in_dim3A_498 in 0 : vector<1x512xf32>, vector<1x512xf32>, vector<1x512xf32>, vector<1x512xf32>, vector<1x512xf32>, vector<1x512xf32>, vector<1x512xf32>, vector<1x512xf32>, vector<1x512xf32>, vector<1x512xf32>, vector<1x512xf32>, vector<1x512xf32>, vector<1x512xf32>, vector<1x512xf32>, vector<1x512xf32>, vector<1x512xf32> -> vector<16x512xf32>
    %slice3A_500 = vector.extract_strided_slice %mul3A_99 {offsets = [0, 1536], sizes = [72, 512], strides = [1, 1]} : vector<72x4096xf32> to vector<72x512xf32>
    %slice3A_501 = vector.extract_strided_slice %convert_element_type3A_95 {offsets = [0, 1536], sizes = [72, 512], strides = [1, 1]} : vector<72x4096xf32> to vector<72x512xf32>
    %slice3A_502 = vector.extract_strided_slice %mul3A_103 {offsets = [0, 0], sizes = [72, 1], strides = [1, 1]} : vector<72x16xf32> to vector<72x1xf32>
    %sub3A_503 = vector.broadcast %slice3A_502 : vector<72x1xf32> to vector<72x512xf32>
    %sub3A_504 = arith.subf %slice3A_500, %sub3A_503 : vector<72x512xf32>
    %abs3A_505 = math.absf %sub3A_504 : vector<72x512xf32>
    %mul3A_506 = arith.mulf %abs3A_505, %slice3A_501 : vector<72x512xf32>
    %reduce_sum3A_507 = arith.constant dense<0.000000e+00> : vector<512xf32>
    %reduce_sum3A_508 = vector.multi_reduction <add>, %mul3A_506, %reduce_sum3A_507 [0] : vector<72x512xf32> to vector<512xf32>
    %broadcast_in_dim3A_509 = vector.shape_cast %reduce_sum3A_508 : vector<512xf32> to vector<1x512xf32>
    %slice3A_510 = vector.extract_strided_slice %mul3A_103 {offsets = [0, 1], sizes = [72, 1], strides = [1, 1]} : vector<72x16xf32> to vector<72x1xf32>
    %sub3A_511 = vector.broadcast %slice3A_510 : vector<72x1xf32> to vector<72x512xf32>
    %sub3A_512 = arith.subf %slice3A_500, %sub3A_511 : vector<72x512xf32>
    %abs3A_513 = math.absf %sub3A_512 : vector<72x512xf32>
    %mul3A_514 = arith.mulf %abs3A_513, %slice3A_501 : vector<72x512xf32>
    %reduce_sum3A_515 = arith.constant dense<0.000000e+00> : vector<512xf32>
    %reduce_sum3A_516 = vector.multi_reduction <add>, %mul3A_514, %reduce_sum3A_515 [0] : vector<72x512xf32> to vector<512xf32>
    %broadcast_in_dim3A_517 = vector.shape_cast %reduce_sum3A_516 : vector<512xf32> to vector<1x512xf32>
    %slice3A_518 = vector.extract_strided_slice %mul3A_103 {offsets = [0, 2], sizes = [72, 1], strides = [1, 1]} : vector<72x16xf32> to vector<72x1xf32>
    %sub3A_519 = vector.broadcast %slice3A_518 : vector<72x1xf32> to vector<72x512xf32>
    %sub3A_520 = arith.subf %slice3A_500, %sub3A_519 : vector<72x512xf32>
    %abs3A_521 = math.absf %sub3A_520 : vector<72x512xf32>
    %mul3A_522 = arith.mulf %abs3A_521, %slice3A_501 : vector<72x512xf32>
    %reduce_sum3A_523 = arith.constant dense<0.000000e+00> : vector<512xf32>
    %reduce_sum3A_524 = vector.multi_reduction <add>, %mul3A_522, %reduce_sum3A_523 [0] : vector<72x512xf32> to vector<512xf32>
    %broadcast_in_dim3A_525 = vector.shape_cast %reduce_sum3A_524 : vector<512xf32> to vector<1x512xf32>
    %slice3A_526 = vector.extract_strided_slice %mul3A_103 {offsets = [0, 3], sizes = [72, 1], strides = [1, 1]} : vector<72x16xf32> to vector<72x1xf32>
    %sub3A_527 = vector.broadcast %slice3A_526 : vector<72x1xf32> to vector<72x512xf32>
    %sub3A_528 = arith.subf %slice3A_500, %sub3A_527 : vector<72x512xf32>
    %abs3A_529 = math.absf %sub3A_528 : vector<72x512xf32>
    %mul3A_530 = arith.mulf %abs3A_529, %slice3A_501 : vector<72x512xf32>
    %reduce_sum3A_531 = arith.constant dense<0.000000e+00> : vector<512xf32>
    %reduce_sum3A_532 = vector.multi_reduction <add>, %mul3A_530, %reduce_sum3A_531 [0] : vector<72x512xf32> to vector<512xf32>
    %broadcast_in_dim3A_533 = vector.shape_cast %reduce_sum3A_532 : vector<512xf32> to vector<1x512xf32>
    %slice3A_534 = vector.extract_strided_slice %mul3A_103 {offsets = [0, 4], sizes = [72, 1], strides = [1, 1]} : vector<72x16xf32> to vector<72x1xf32>
    %sub3A_535 = vector.broadcast %slice3A_534 : vector<72x1xf32> to vector<72x512xf32>
    %sub3A_536 = arith.subf %slice3A_500, %sub3A_535 : vector<72x512xf32>
    %abs3A_537 = math.absf %sub3A_536 : vector<72x512xf32>
    %mul3A_538 = arith.mulf %abs3A_537, %slice3A_501 : vector<72x512xf32>
    %reduce_sum3A_539 = arith.constant dense<0.000000e+00> : vector<512xf32>
    %reduce_sum3A_540 = vector.multi_reduction <add>, %mul3A_538, %reduce_sum3A_539 [0] : vector<72x512xf32> to vector<512xf32>
    %broadcast_in_dim3A_541 = vector.shape_cast %reduce_sum3A_540 : vector<512xf32> to vector<1x512xf32>
    %slice3A_542 = vector.extract_strided_slice %mul3A_103 {offsets = [0, 5], sizes = [72, 1], strides = [1, 1]} : vector<72x16xf32> to vector<72x1xf32>
    %sub3A_543 = vector.broadcast %slice3A_542 : vector<72x1xf32> to vector<72x512xf32>
    %sub3A_544 = arith.subf %slice3A_500, %sub3A_543 : vector<72x512xf32>
    %abs3A_545 = math.absf %sub3A_544 : vector<72x512xf32>
    %mul3A_546 = arith.mulf %abs3A_545, %slice3A_501 : vector<72x512xf32>
    %reduce_sum3A_547 = arith.constant dense<0.000000e+00> : vector<512xf32>
    %reduce_sum3A_548 = vector.multi_reduction <add>, %mul3A_546, %reduce_sum3A_547 [0] : vector<72x512xf32> to vector<512xf32>
    %broadcast_in_dim3A_549 = vector.shape_cast %reduce_sum3A_548 : vector<512xf32> to vector<1x512xf32>
    %slice3A_550 = vector.extract_strided_slice %mul3A_103 {offsets = [0, 6], sizes = [72, 1], strides = [1, 1]} : vector<72x16xf32> to vector<72x1xf32>
    %sub3A_551 = vector.broadcast %slice3A_550 : vector<72x1xf32> to vector<72x512xf32>
    %sub3A_552 = arith.subf %slice3A_500, %sub3A_551 : vector<72x512xf32>
    %abs3A_553 = math.absf %sub3A_552 : vector<72x512xf32>
    %mul3A_554 = arith.mulf %abs3A_553, %slice3A_501 : vector<72x512xf32>
    %reduce_sum3A_555 = arith.constant dense<0.000000e+00> : vector<512xf32>
    %reduce_sum3A_556 = vector.multi_reduction <add>, %mul3A_554, %reduce_sum3A_555 [0] : vector<72x512xf32> to vector<512xf32>
    %broadcast_in_dim3A_557 = vector.shape_cast %reduce_sum3A_556 : vector<512xf32> to vector<1x512xf32>
    %slice3A_558 = vector.extract_strided_slice %mul3A_103 {offsets = [0, 7], sizes = [72, 1], strides = [1, 1]} : vector<72x16xf32> to vector<72x1xf32>
    %sub3A_559 = vector.broadcast %slice3A_558 : vector<72x1xf32> to vector<72x512xf32>
    %sub3A_560 = arith.subf %slice3A_500, %sub3A_559 : vector<72x512xf32>
    %abs3A_561 = math.absf %sub3A_560 : vector<72x512xf32>
    %mul3A_562 = arith.mulf %abs3A_561, %slice3A_501 : vector<72x512xf32>
    %reduce_sum3A_563 = arith.constant dense<0.000000e+00> : vector<512xf32>
    %reduce_sum3A_564 = vector.multi_reduction <add>, %mul3A_562, %reduce_sum3A_563 [0] : vector<72x512xf32> to vector<512xf32>
    %broadcast_in_dim3A_565 = vector.shape_cast %reduce_sum3A_564 : vector<512xf32> to vector<1x512xf32>
    %slice3A_566 = vector.extract_strided_slice %mul3A_103 {offsets = [0, 8], sizes = [72, 1], strides = [1, 1]} : vector<72x16xf32> to vector<72x1xf32>
    %sub3A_567 = vector.broadcast %slice3A_566 : vector<72x1xf32> to vector<72x512xf32>
    %sub3A_568 = arith.subf %slice3A_500, %sub3A_567 : vector<72x512xf32>
    %abs3A_569 = math.absf %sub3A_568 : vector<72x512xf32>
    %mul3A_570 = arith.mulf %abs3A_569, %slice3A_501 : vector<72x512xf32>
    %reduce_sum3A_571 = arith.constant dense<0.000000e+00> : vector<512xf32>
    %reduce_sum3A_572 = vector.multi_reduction <add>, %mul3A_570, %reduce_sum3A_571 [0] : vector<72x512xf32> to vector<512xf32>
    %broadcast_in_dim3A_573 = vector.shape_cast %reduce_sum3A_572 : vector<512xf32> to vector<1x512xf32>
    %slice3A_574 = vector.extract_strided_slice %mul3A_103 {offsets = [0, 9], sizes = [72, 1], strides = [1, 1]} : vector<72x16xf32> to vector<72x1xf32>
    %sub3A_575 = vector.broadcast %slice3A_574 : vector<72x1xf32> to vector<72x512xf32>
    %sub3A_576 = arith.subf %slice3A_500, %sub3A_575 : vector<72x512xf32>
    %abs3A_577 = math.absf %sub3A_576 : vector<72x512xf32>
    %mul3A_578 = arith.mulf %abs3A_577, %slice3A_501 : vector<72x512xf32>
    %reduce_sum3A_579 = arith.constant dense<0.000000e+00> : vector<512xf32>
    %reduce_sum3A_580 = vector.multi_reduction <add>, %mul3A_578, %reduce_sum3A_579 [0] : vector<72x512xf32> to vector<512xf32>
    %broadcast_in_dim3A_581 = vector.shape_cast %reduce_sum3A_580 : vector<512xf32> to vector<1x512xf32>
    %slice3A_582 = vector.extract_strided_slice %mul3A_103 {offsets = [0, 10], sizes = [72, 1], strides = [1, 1]} : vector<72x16xf32> to vector<72x1xf32>
    %sub3A_583 = vector.broadcast %slice3A_582 : vector<72x1xf32> to vector<72x512xf32>
    %sub3A_584 = arith.subf %slice3A_500, %sub3A_583 : vector<72x512xf32>
    %abs3A_585 = math.absf %sub3A_584 : vector<72x512xf32>
    %mul3A_586 = arith.mulf %abs3A_585, %slice3A_501 : vector<72x512xf32>
    %reduce_sum3A_587 = arith.constant dense<0.000000e+00> : vector<512xf32>
    %reduce_sum3A_588 = vector.multi_reduction <add>, %mul3A_586, %reduce_sum3A_587 [0] : vector<72x512xf32> to vector<512xf32>
    %broadcast_in_dim3A_589 = vector.shape_cast %reduce_sum3A_588 : vector<512xf32> to vector<1x512xf32>
    %slice3A_590 = vector.extract_strided_slice %mul3A_103 {offsets = [0, 11], sizes = [72, 1], strides = [1, 1]} : vector<72x16xf32> to vector<72x1xf32>
    %sub3A_591 = vector.broadcast %slice3A_590 : vector<72x1xf32> to vector<72x512xf32>
    %sub3A_592 = arith.subf %slice3A_500, %sub3A_591 : vector<72x512xf32>
    %abs3A_593 = math.absf %sub3A_592 : vector<72x512xf32>
    %mul3A_594 = arith.mulf %abs3A_593, %slice3A_501 : vector<72x512xf32>
    %reduce_sum3A_595 = arith.constant dense<0.000000e+00> : vector<512xf32>
    %reduce_sum3A_596 = vector.multi_reduction <add>, %mul3A_594, %reduce_sum3A_595 [0] : vector<72x512xf32> to vector<512xf32>
    %broadcast_in_dim3A_597 = vector.shape_cast %reduce_sum3A_596 : vector<512xf32> to vector<1x512xf32>
    %slice3A_598 = vector.extract_strided_slice %mul3A_103 {offsets = [0, 12], sizes = [72, 1], strides = [1, 1]} : vector<72x16xf32> to vector<72x1xf32>
    %sub3A_599 = vector.broadcast %slice3A_598 : vector<72x1xf32> to vector<72x512xf32>
    %sub3A_600 = arith.subf %slice3A_500, %sub3A_599 : vector<72x512xf32>
    %abs3A_601 = math.absf %sub3A_600 : vector<72x512xf32>
    %mul3A_602 = arith.mulf %abs3A_601, %slice3A_501 : vector<72x512xf32>
    %reduce_sum3A_603 = arith.constant dense<0.000000e+00> : vector<512xf32>
    %reduce_sum3A_604 = vector.multi_reduction <add>, %mul3A_602, %reduce_sum3A_603 [0] : vector<72x512xf32> to vector<512xf32>
    %broadcast_in_dim3A_605 = vector.shape_cast %reduce_sum3A_604 : vector<512xf32> to vector<1x512xf32>
    %slice3A_606 = vector.extract_strided_slice %mul3A_103 {offsets = [0, 13], sizes = [72, 1], strides = [1, 1]} : vector<72x16xf32> to vector<72x1xf32>
    %sub3A_607 = vector.broadcast %slice3A_606 : vector<72x1xf32> to vector<72x512xf32>
    %sub3A_608 = arith.subf %slice3A_500, %sub3A_607 : vector<72x512xf32>
    %abs3A_609 = math.absf %sub3A_608 : vector<72x512xf32>
    %mul3A_610 = arith.mulf %abs3A_609, %slice3A_501 : vector<72x512xf32>
    %reduce_sum3A_611 = arith.constant dense<0.000000e+00> : vector<512xf32>
    %reduce_sum3A_612 = vector.multi_reduction <add>, %mul3A_610, %reduce_sum3A_611 [0] : vector<72x512xf32> to vector<512xf32>
    %broadcast_in_dim3A_613 = vector.shape_cast %reduce_sum3A_612 : vector<512xf32> to vector<1x512xf32>
    %slice3A_614 = vector.extract_strided_slice %mul3A_103 {offsets = [0, 14], sizes = [72, 1], strides = [1, 1]} : vector<72x16xf32> to vector<72x1xf32>
    %sub3A_615 = vector.broadcast %slice3A_614 : vector<72x1xf32> to vector<72x512xf32>
    %sub3A_616 = arith.subf %slice3A_500, %sub3A_615 : vector<72x512xf32>
    %abs3A_617 = math.absf %sub3A_616 : vector<72x512xf32>
    %mul3A_618 = arith.mulf %abs3A_617, %slice3A_501 : vector<72x512xf32>
    %reduce_sum3A_619 = arith.constant dense<0.000000e+00> : vector<512xf32>
    %reduce_sum3A_620 = vector.multi_reduction <add>, %mul3A_618, %reduce_sum3A_619 [0] : vector<72x512xf32> to vector<512xf32>
    %broadcast_in_dim3A_621 = vector.shape_cast %reduce_sum3A_620 : vector<512xf32> to vector<1x512xf32>
    %slice3A_622 = vector.extract_strided_slice %mul3A_103 {offsets = [0, 15], sizes = [72, 1], strides = [1, 1]} : vector<72x16xf32> to vector<72x1xf32>
    %sub3A_623 = vector.broadcast %slice3A_622 : vector<72x1xf32> to vector<72x512xf32>
    %sub3A_624 = arith.subf %slice3A_500, %sub3A_623 : vector<72x512xf32>
    %abs3A_625 = math.absf %sub3A_624 : vector<72x512xf32>
    %mul3A_626 = arith.mulf %abs3A_625, %slice3A_501 : vector<72x512xf32>
    %reduce_sum3A_627 = arith.constant dense<0.000000e+00> : vector<512xf32>
    %reduce_sum3A_628 = vector.multi_reduction <add>, %mul3A_626, %reduce_sum3A_627 [0] : vector<72x512xf32> to vector<512xf32>
    %broadcast_in_dim3A_629 = vector.shape_cast %reduce_sum3A_628 : vector<512xf32> to vector<1x512xf32>
    %concatenate3A_630 = tpu.concatenate %broadcast_in_dim3A_509, %broadcast_in_dim3A_517, %broadcast_in_dim3A_525, %broadcast_in_dim3A_533, %broadcast_in_dim3A_541, %broadcast_in_dim3A_549, %broadcast_in_dim3A_557, %broadcast_in_dim3A_565, %broadcast_in_dim3A_573, %broadcast_in_dim3A_581, %broadcast_in_dim3A_589, %broadcast_in_dim3A_597, %broadcast_in_dim3A_605, %broadcast_in_dim3A_613, %broadcast_in_dim3A_621, %broadcast_in_dim3A_629 in 0 : vector<1x512xf32>, vector<1x512xf32>, vector<1x512xf32>, vector<1x512xf32>, vector<1x512xf32>, vector<1x512xf32>, vector<1x512xf32>, vector<1x512xf32>, vector<1x512xf32>, vector<1x512xf32>, vector<1x512xf32>, vector<1x512xf32>, vector<1x512xf32>, vector<1x512xf32>, vector<1x512xf32>, vector<1x512xf32> -> vector<16x512xf32>
    %slice3A_631 = vector.extract_strided_slice %mul3A_99 {offsets = [0, 2048], sizes = [72, 512], strides = [1, 1]} : vector<72x4096xf32> to vector<72x512xf32>
    %slice3A_632 = vector.extract_strided_slice %convert_element_type3A_95 {offsets = [0, 2048], sizes = [72, 512], strides = [1, 1]} : vector<72x4096xf32> to vector<72x512xf32>
    %slice3A_633 = vector.extract_strided_slice %mul3A_103 {offsets = [0, 0], sizes = [72, 1], strides = [1, 1]} : vector<72x16xf32> to vector<72x1xf32>
    %sub3A_634 = vector.broadcast %slice3A_633 : vector<72x1xf32> to vector<72x512xf32>
    %sub3A_635 = arith.subf %slice3A_631, %sub3A_634 : vector<72x512xf32>
    %abs3A_636 = math.absf %sub3A_635 : vector<72x512xf32>
    %mul3A_637 = arith.mulf %abs3A_636, %slice3A_632 : vector<72x512xf32>
    %reduce_sum3A_638 = arith.constant dense<0.000000e+00> : vector<512xf32>
    %reduce_sum3A_639 = vector.multi_reduction <add>, %mul3A_637, %reduce_sum3A_638 [0] : vector<72x512xf32> to vector<512xf32>
    %broadcast_in_dim3A_640 = vector.shape_cast %reduce_sum3A_639 : vector<512xf32> to vector<1x512xf32>
    %slice3A_641 = vector.extract_strided_slice %mul3A_103 {offsets = [0, 1], sizes = [72, 1], strides = [1, 1]} : vector<72x16xf32> to vector<72x1xf32>
    %sub3A_642 = vector.broadcast %slice3A_641 : vector<72x1xf32> to vector<72x512xf32>
    %sub3A_643 = arith.subf %slice3A_631, %sub3A_642 : vector<72x512xf32>
    %abs3A_644 = math.absf %sub3A_643 : vector<72x512xf32>
    %mul3A_645 = arith.mulf %abs3A_644, %slice3A_632 : vector<72x512xf32>
    %reduce_sum3A_646 = arith.constant dense<0.000000e+00> : vector<512xf32>
    %reduce_sum3A_647 = vector.multi_reduction <add>, %mul3A_645, %reduce_sum3A_646 [0] : vector<72x512xf32> to vector<512xf32>
    %broadcast_in_dim3A_648 = vector.shape_cast %reduce_sum3A_647 : vector<512xf32> to vector<1x512xf32>
    %slice3A_649 = vector.extract_strided_slice %mul3A_103 {offsets = [0, 2], sizes = [72, 1], strides = [1, 1]} : vector<72x16xf32> to vector<72x1xf32>
    %sub3A_650 = vector.broadcast %slice3A_649 : vector<72x1xf32> to vector<72x512xf32>
    %sub3A_651 = arith.subf %slice3A_631, %sub3A_650 : vector<72x512xf32>
    %abs3A_652 = math.absf %sub3A_651 : vector<72x512xf32>
    %mul3A_653 = arith.mulf %abs3A_652, %slice3A_632 : vector<72x512xf32>
    %reduce_sum3A_654 = arith.constant dense<0.000000e+00> : vector<512xf32>
    %reduce_sum3A_655 = vector.multi_reduction <add>, %mul3A_653, %reduce_sum3A_654 [0] : vector<72x512xf32> to vector<512xf32>
    %broadcast_in_dim3A_656 = vector.shape_cast %reduce_sum3A_655 : vector<512xf32> to vector<1x512xf32>
    %slice3A_657 = vector.extract_strided_slice %mul3A_103 {offsets = [0, 3], sizes = [72, 1], strides = [1, 1]} : vector<72x16xf32> to vector<72x1xf32>
    %sub3A_658 = vector.broadcast %slice3A_657 : vector<72x1xf32> to vector<72x512xf32>
    %sub3A_659 = arith.subf %slice3A_631, %sub3A_658 : vector<72x512xf32>
    %abs3A_660 = math.absf %sub3A_659 : vector<72x512xf32>
    %mul3A_661 = arith.mulf %abs3A_660, %slice3A_632 : vector<72x512xf32>
    %reduce_sum3A_662 = arith.constant dense<0.000000e+00> : vector<512xf32>
    %reduce_sum3A_663 = vector.multi_reduction <add>, %mul3A_661, %reduce_sum3A_662 [0] : vector<72x512xf32> to vector<512xf32>
    %broadcast_in_dim3A_664 = vector.shape_cast %reduce_sum3A_663 : vector<512xf32> to vector<1x512xf32>
    %slice3A_665 = vector.extract_strided_slice %mul3A_103 {offsets = [0, 4], sizes = [72, 1], strides = [1, 1]} : vector<72x16xf32> to vector<72x1xf32>
    %sub3A_666 = vector.broadcast %slice3A_665 : vector<72x1xf32> to vector<72x512xf32>
    %sub3A_667 = arith.subf %slice3A_631, %sub3A_666 : vector<72x512xf32>
    %abs3A_668 = math.absf %sub3A_667 : vector<72x512xf32>
    %mul3A_669 = arith.mulf %abs3A_668, %slice3A_632 : vector<72x512xf32>
    %reduce_sum3A_670 = arith.constant dense<0.000000e+00> : vector<512xf32>
    %reduce_sum3A_671 = vector.multi_reduction <add>, %mul3A_669, %reduce_sum3A_670 [0] : vector<72x512xf32> to vector<512xf32>
    %broadcast_in_dim3A_672 = vector.shape_cast %reduce_sum3A_671 : vector<512xf32> to vector<1x512xf32>
    %slice3A_673 = vector.extract_strided_slice %mul3A_103 {offsets = [0, 5], sizes = [72, 1], strides = [1, 1]} : vector<72x16xf32> to vector<72x1xf32>
    %sub3A_674 = vector.broadcast %slice3A_673 : vector<72x1xf32> to vector<72x512xf32>
    %sub3A_675 = arith.subf %slice3A_631, %sub3A_674 : vector<72x512xf32>
    %abs3A_676 = math.absf %sub3A_675 : vector<72x512xf32>
    %mul3A_677 = arith.mulf %abs3A_676, %slice3A_632 : vector<72x512xf32>
    %reduce_sum3A_678 = arith.constant dense<0.000000e+00> : vector<512xf32>
    %reduce_sum3A_679 = vector.multi_reduction <add>, %mul3A_677, %reduce_sum3A_678 [0] : vector<72x512xf32> to vector<512xf32>
    %broadcast_in_dim3A_680 = vector.shape_cast %reduce_sum3A_679 : vector<512xf32> to vector<1x512xf32>
    %slice3A_681 = vector.extract_strided_slice %mul3A_103 {offsets = [0, 6], sizes = [72, 1], strides = [1, 1]} : vector<72x16xf32> to vector<72x1xf32>
    %sub3A_682 = vector.broadcast %slice3A_681 : vector<72x1xf32> to vector<72x512xf32>
    %sub3A_683 = arith.subf %slice3A_631, %sub3A_682 : vector<72x512xf32>
    %abs3A_684 = math.absf %sub3A_683 : vector<72x512xf32>
    %mul3A_685 = arith.mulf %abs3A_684, %slice3A_632 : vector<72x512xf32>
    %reduce_sum3A_686 = arith.constant dense<0.000000e+00> : vector<512xf32>
    %reduce_sum3A_687 = vector.multi_reduction <add>, %mul3A_685, %reduce_sum3A_686 [0] : vector<72x512xf32> to vector<512xf32>
    %broadcast_in_dim3A_688 = vector.shape_cast %reduce_sum3A_687 : vector<512xf32> to vector<1x512xf32>
    %slice3A_689 = vector.extract_strided_slice %mul3A_103 {offsets = [0, 7], sizes = [72, 1], strides = [1, 1]} : vector<72x16xf32> to vector<72x1xf32>
    %sub3A_690 = vector.broadcast %slice3A_689 : vector<72x1xf32> to vector<72x512xf32>
    %sub3A_691 = arith.subf %slice3A_631, %sub3A_690 : vector<72x512xf32>
    %abs3A_692 = math.absf %sub3A_691 : vector<72x512xf32>
    %mul3A_693 = arith.mulf %abs3A_692, %slice3A_632 : vector<72x512xf32>
    %reduce_sum3A_694 = arith.constant dense<0.000000e+00> : vector<512xf32>
    %reduce_sum3A_695 = vector.multi_reduction <add>, %mul3A_693, %reduce_sum3A_694 [0] : vector<72x512xf32> to vector<512xf32>
    %broadcast_in_dim3A_696 = vector.shape_cast %reduce_sum3A_695 : vector<512xf32> to vector<1x512xf32>
    %slice3A_697 = vector.extract_strided_slice %mul3A_103 {offsets = [0, 8], sizes = [72, 1], strides = [1, 1]} : vector<72x16xf32> to vector<72x1xf32>
    %sub3A_698 = vector.broadcast %slice3A_697 : vector<72x1xf32> to vector<72x512xf32>
    %sub3A_699 = arith.subf %slice3A_631, %sub3A_698 : vector<72x512xf32>
    %abs3A_700 = math.absf %sub3A_699 : vector<72x512xf32>
    %mul3A_701 = arith.mulf %abs3A_700, %slice3A_632 : vector<72x512xf32>
    %reduce_sum3A_702 = arith.constant dense<0.000000e+00> : vector<512xf32>
    %reduce_sum3A_703 = vector.multi_reduction <add>, %mul3A_701, %reduce_sum3A_702 [0] : vector<72x512xf32> to vector<512xf32>
    %broadcast_in_dim3A_704 = vector.shape_cast %reduce_sum3A_703 : vector<512xf32> to vector<1x512xf32>
    %slice3A_705 = vector.extract_strided_slice %mul3A_103 {offsets = [0, 9], sizes = [72, 1], strides = [1, 1]} : vector<72x16xf32> to vector<72x1xf32>
    %sub3A_706 = vector.broadcast %slice3A_705 : vector<72x1xf32> to vector<72x512xf32>
    %sub3A_707 = arith.subf %slice3A_631, %sub3A_706 : vector<72x512xf32>
    %abs3A_708 = math.absf %sub3A_707 : vector<72x512xf32>
    %mul3A_709 = arith.mulf %abs3A_708, %slice3A_632 : vector<72x512xf32>
    %reduce_sum3A_710 = arith.constant dense<0.000000e+00> : vector<512xf32>
    %reduce_sum3A_711 = vector.multi_reduction <add>, %mul3A_709, %reduce_sum3A_710 [0] : vector<72x512xf32> to vector<512xf32>
    %broadcast_in_dim3A_712 = vector.shape_cast %reduce_sum3A_711 : vector<512xf32> to vector<1x512xf32>
    %slice3A_713 = vector.extract_strided_slice %mul3A_103 {offsets = [0, 10], sizes = [72, 1], strides = [1, 1]} : vector<72x16xf32> to vector<72x1xf32>
    %sub3A_714 = vector.broadcast %slice3A_713 : vector<72x1xf32> to vector<72x512xf32>
    %sub3A_715 = arith.subf %slice3A_631, %sub3A_714 : vector<72x512xf32>
    %abs3A_716 = math.absf %sub3A_715 : vector<72x512xf32>
    %mul3A_717 = arith.mulf %abs3A_716, %slice3A_632 : vector<72x512xf32>
    %reduce_sum3A_718 = arith.constant dense<0.000000e+00> : vector<512xf32>
    %reduce_sum3A_719 = vector.multi_reduction <add>, %mul3A_717, %reduce_sum3A_718 [0] : vector<72x512xf32> to vector<512xf32>
    %broadcast_in_dim3A_720 = vector.shape_cast %reduce_sum3A_719 : vector<512xf32> to vector<1x512xf32>
    %slice3A_721 = vector.extract_strided_slice %mul3A_103 {offsets = [0, 11], sizes = [72, 1], strides = [1, 1]} : vector<72x16xf32> to vector<72x1xf32>
    %sub3A_722 = vector.broadcast %slice3A_721 : vector<72x1xf32> to vector<72x512xf32>
    %sub3A_723 = arith.subf %slice3A_631, %sub3A_722 : vector<72x512xf32>
    %abs3A_724 = math.absf %sub3A_723 : vector<72x512xf32>
    %mul3A_725 = arith.mulf %abs3A_724, %slice3A_632 : vector<72x512xf32>
    %reduce_sum3A_726 = arith.constant dense<0.000000e+00> : vector<512xf32>
    %reduce_sum3A_727 = vector.multi_reduction <add>, %mul3A_725, %reduce_sum3A_726 [0] : vector<72x512xf32> to vector<512xf32>
    %broadcast_in_dim3A_728 = vector.shape_cast %reduce_sum3A_727 : vector<512xf32> to vector<1x512xf32>
    %slice3A_729 = vector.extract_strided_slice %mul3A_103 {offsets = [0, 12], sizes = [72, 1], strides = [1, 1]} : vector<72x16xf32> to vector<72x1xf32>
    %sub3A_730 = vector.broadcast %slice3A_729 : vector<72x1xf32> to vector<72x512xf32>
    %sub3A_731 = arith.subf %slice3A_631, %sub3A_730 : vector<72x512xf32>
    %abs3A_732 = math.absf %sub3A_731 : vector<72x512xf32>
    %mul3A_733 = arith.mulf %abs3A_732, %slice3A_632 : vector<72x512xf32>
    %reduce_sum3A_734 = arith.constant dense<0.000000e+00> : vector<512xf32>
    %reduce_sum3A_735 = vector.multi_reduction <add>, %mul3A_733, %reduce_sum3A_734 [0] : vector<72x512xf32> to vector<512xf32>
    %broadcast_in_dim3A_736 = vector.shape_cast %reduce_sum3A_735 : vector<512xf32> to vector<1x512xf32>
    %slice3A_737 = vector.extract_strided_slice %mul3A_103 {offsets = [0, 13], sizes = [72, 1], strides = [1, 1]} : vector<72x16xf32> to vector<72x1xf32>
    %sub3A_738 = vector.broadcast %slice3A_737 : vector<72x1xf32> to vector<72x512xf32>
    %sub3A_739 = arith.subf %slice3A_631, %sub3A_738 : vector<72x512xf32>
    %abs3A_740 = math.absf %sub3A_739 : vector<72x512xf32>
    %mul3A_741 = arith.mulf %abs3A_740, %slice3A_632 : vector<72x512xf32>
    %reduce_sum3A_742 = arith.constant dense<0.000000e+00> : vector<512xf32>
    %reduce_sum3A_743 = vector.multi_reduction <add>, %mul3A_741, %reduce_sum3A_742 [0] : vector<72x512xf32> to vector<512xf32>
    %broadcast_in_dim3A_744 = vector.shape_cast %reduce_sum3A_743 : vector<512xf32> to vector<1x512xf32>
    %slice3A_745 = vector.extract_strided_slice %mul3A_103 {offsets = [0, 14], sizes = [72, 1], strides = [1, 1]} : vector<72x16xf32> to vector<72x1xf32>
    %sub3A_746 = vector.broadcast %slice3A_745 : vector<72x1xf32> to vector<72x512xf32>
    %sub3A_747 = arith.subf %slice3A_631, %sub3A_746 : vector<72x512xf32>
    %abs3A_748 = math.absf %sub3A_747 : vector<72x512xf32>
    %mul3A_749 = arith.mulf %abs3A_748, %slice3A_632 : vector<72x512xf32>
    %reduce_sum3A_750 = arith.constant dense<0.000000e+00> : vector<512xf32>
    %reduce_sum3A_751 = vector.multi_reduction <add>, %mul3A_749, %reduce_sum3A_750 [0] : vector<72x512xf32> to vector<512xf32>
    %broadcast_in_dim3A_752 = vector.shape_cast %reduce_sum3A_751 : vector<512xf32> to vector<1x512xf32>
    %slice3A_753 = vector.extract_strided_slice %mul3A_103 {offsets = [0, 15], sizes = [72, 1], strides = [1, 1]} : vector<72x16xf32> to vector<72x1xf32>
    %sub3A_754 = vector.broadcast %slice3A_753 : vector<72x1xf32> to vector<72x512xf32>
    %sub3A_755 = arith.subf %slice3A_631, %sub3A_754 : vector<72x512xf32>
    %abs3A_756 = math.absf %sub3A_755 : vector<72x512xf32>
    %mul3A_757 = arith.mulf %abs3A_756, %slice3A_632 : vector<72x512xf32>
    %reduce_sum3A_758 = arith.constant dense<0.000000e+00> : vector<512xf32>
    %reduce_sum3A_759 = vector.multi_reduction <add>, %mul3A_757, %reduce_sum3A_758 [0] : vector<72x512xf32> to vector<512xf32>
    %broadcast_in_dim3A_760 = vector.shape_cast %reduce_sum3A_759 : vector<512xf32> to vector<1x512xf32>
    %concatenate3A_761 = tpu.concatenate %broadcast_in_dim3A_640, %broadcast_in_dim3A_648, %broadcast_in_dim3A_656, %broadcast_in_dim3A_664, %broadcast_in_dim3A_672, %broadcast_in_dim3A_680, %broadcast_in_dim3A_688, %broadcast_in_dim3A_696, %broadcast_in_dim3A_704, %broadcast_in_dim3A_712, %broadcast_in_dim3A_720, %broadcast_in_dim3A_728, %broadcast_in_dim3A_736, %broadcast_in_dim3A_744, %broadcast_in_dim3A_752, %broadcast_in_dim3A_760 in 0 : vector<1x512xf32>, vector<1x512xf32>, vector<1x512xf32>, vector<1x512xf32>, vector<1x512xf32>, vector<1x512xf32>, vector<1x512xf32>, vector<1x512xf32>, vector<1x512xf32>, vector<1x512xf32>, vector<1x512xf32>, vector<1x512xf32>, vector<1x512xf32>, vector<1x512xf32>, vector<1x512xf32>, vector<1x512xf32> -> vector<16x512xf32>
    %slice3A_762 = vector.extract_strided_slice %mul3A_99 {offsets = [0, 2560], sizes = [72, 512], strides = [1, 1]} : vector<72x4096xf32> to vector<72x512xf32>
    %slice3A_763 = vector.extract_strided_slice %convert_element_type3A_95 {offsets = [0, 2560], sizes = [72, 512], strides = [1, 1]} : vector<72x4096xf32> to vector<72x512xf32>
    %slice3A_764 = vector.extract_strided_slice %mul3A_103 {offsets = [0, 0], sizes = [72, 1], strides = [1, 1]} : vector<72x16xf32> to vector<72x1xf32>
    %sub3A_765 = vector.broadcast %slice3A_764 : vector<72x1xf32> to vector<72x512xf32>
    %sub3A_766 = arith.subf %slice3A_762, %sub3A_765 : vector<72x512xf32>
    %abs3A_767 = math.absf %sub3A_766 : vector<72x512xf32>
    %mul3A_768 = arith.mulf %abs3A_767, %slice3A_763 : vector<72x512xf32>
    %reduce_sum3A_769 = arith.constant dense<0.000000e+00> : vector<512xf32>
    %reduce_sum3A_770 = vector.multi_reduction <add>, %mul3A_768, %reduce_sum3A_769 [0] : vector<72x512xf32> to vector<512xf32>
    %broadcast_in_dim3A_771 = vector.shape_cast %reduce_sum3A_770 : vector<512xf32> to vector<1x512xf32>
    %slice3A_772 = vector.extract_strided_slice %mul3A_103 {offsets = [0, 1], sizes = [72, 1], strides = [1, 1]} : vector<72x16xf32> to vector<72x1xf32>
    %sub3A_773 = vector.broadcast %slice3A_772 : vector<72x1xf32> to vector<72x512xf32>
    %sub3A_774 = arith.subf %slice3A_762, %sub3A_773 : vector<72x512xf32>
    %abs3A_775 = math.absf %sub3A_774 : vector<72x512xf32>
    %mul3A_776 = arith.mulf %abs3A_775, %slice3A_763 : vector<72x512xf32>
    %reduce_sum3A_777 = arith.constant dense<0.000000e+00> : vector<512xf32>
    %reduce_sum3A_778 = vector.multi_reduction <add>, %mul3A_776, %reduce_sum3A_777 [0] : vector<72x512xf32> to vector<512xf32>
    %broadcast_in_dim3A_779 = vector.shape_cast %reduce_sum3A_778 : vector<512xf32> to vector<1x512xf32>
    %slice3A_780 = vector.extract_strided_slice %mul3A_103 {offsets = [0, 2], sizes = [72, 1], strides = [1, 1]} : vector<72x16xf32> to vector<72x1xf32>
    %sub3A_781 = vector.broadcast %slice3A_780 : vector<72x1xf32> to vector<72x512xf32>
    %sub3A_782 = arith.subf %slice3A_762, %sub3A_781 : vector<72x512xf32>
    %abs3A_783 = math.absf %sub3A_782 : vector<72x512xf32>
    %mul3A_784 = arith.mulf %abs3A_783, %slice3A_763 : vector<72x512xf32>
    %reduce_sum3A_785 = arith.constant dense<0.000000e+00> : vector<512xf32>
    %reduce_sum3A_786 = vector.multi_reduction <add>, %mul3A_784, %reduce_sum3A_785 [0] : vector<72x512xf32> to vector<512xf32>
    %broadcast_in_dim3A_787 = vector.shape_cast %reduce_sum3A_786 : vector<512xf32> to vector<1x512xf32>
    %slice3A_788 = vector.extract_strided_slice %mul3A_103 {offsets = [0, 3], sizes = [72, 1], strides = [1, 1]} : vector<72x16xf32> to vector<72x1xf32>
    %sub3A_789 = vector.broadcast %slice3A_788 : vector<72x1xf32> to vector<72x512xf32>
    %sub3A_790 = arith.subf %slice3A_762, %sub3A_789 : vector<72x512xf32>
    %abs3A_791 = math.absf %sub3A_790 : vector<72x512xf32>
    %mul3A_792 = arith.mulf %abs3A_791, %slice3A_763 : vector<72x512xf32>
    %reduce_sum3A_793 = arith.constant dense<0.000000e+00> : vector<512xf32>
    %reduce_sum3A_794 = vector.multi_reduction <add>, %mul3A_792, %reduce_sum3A_793 [0] : vector<72x512xf32> to vector<512xf32>
    %broadcast_in_dim3A_795 = vector.shape_cast %reduce_sum3A_794 : vector<512xf32> to vector<1x512xf32>
    %slice3A_796 = vector.extract_strided_slice %mul3A_103 {offsets = [0, 4], sizes = [72, 1], strides = [1, 1]} : vector<72x16xf32> to vector<72x1xf32>
    %sub3A_797 = vector.broadcast %slice3A_796 : vector<72x1xf32> to vector<72x512xf32>
    %sub3A_798 = arith.subf %slice3A_762, %sub3A_797 : vector<72x512xf32>
    %abs3A_799 = math.absf %sub3A_798 : vector<72x512xf32>
    %mul3A_800 = arith.mulf %abs3A_799, %slice3A_763 : vector<72x512xf32>
    %reduce_sum3A_801 = arith.constant dense<0.000000e+00> : vector<512xf32>
    %reduce_sum3A_802 = vector.multi_reduction <add>, %mul3A_800, %reduce_sum3A_801 [0] : vector<72x512xf32> to vector<512xf32>
    %broadcast_in_dim3A_803 = vector.shape_cast %reduce_sum3A_802 : vector<512xf32> to vector<1x512xf32>
    %slice3A_804 = vector.extract_strided_slice %mul3A_103 {offsets = [0, 5], sizes = [72, 1], strides = [1, 1]} : vector<72x16xf32> to vector<72x1xf32>
    %sub3A_805 = vector.broadcast %slice3A_804 : vector<72x1xf32> to vector<72x512xf32>
    %sub3A_806 = arith.subf %slice3A_762, %sub3A_805 : vector<72x512xf32>
    %abs3A_807 = math.absf %sub3A_806 : vector<72x512xf32>
    %mul3A_808 = arith.mulf %abs3A_807, %slice3A_763 : vector<72x512xf32>
    %reduce_sum3A_809 = arith.constant dense<0.000000e+00> : vector<512xf32>
    %reduce_sum3A_810 = vector.multi_reduction <add>, %mul3A_808, %reduce_sum3A_809 [0] : vector<72x512xf32> to vector<512xf32>
    %broadcast_in_dim3A_811 = vector.shape_cast %reduce_sum3A_810 : vector<512xf32> to vector<1x512xf32>
    %slice3A_812 = vector.extract_strided_slice %mul3A_103 {offsets = [0, 6], sizes = [72, 1], strides = [1, 1]} : vector<72x16xf32> to vector<72x1xf32>
    %sub3A_813 = vector.broadcast %slice3A_812 : vector<72x1xf32> to vector<72x512xf32>
    %sub3A_814 = arith.subf %slice3A_762, %sub3A_813 : vector<72x512xf32>
    %abs3A_815 = math.absf %sub3A_814 : vector<72x512xf32>
    %mul3A_816 = arith.mulf %abs3A_815, %slice3A_763 : vector<72x512xf32>
    %reduce_sum3A_817 = arith.constant dense<0.000000e+00> : vector<512xf32>
    %reduce_sum3A_818 = vector.multi_reduction <add>, %mul3A_816, %reduce_sum3A_817 [0] : vector<72x512xf32> to vector<512xf32>
    %broadcast_in_dim3A_819 = vector.shape_cast %reduce_sum3A_818 : vector<512xf32> to vector<1x512xf32>
    %slice3A_820 = vector.extract_strided_slice %mul3A_103 {offsets = [0, 7], sizes = [72, 1], strides = [1, 1]} : vector<72x16xf32> to vector<72x1xf32>
    %sub3A_821 = vector.broadcast %slice3A_820 : vector<72x1xf32> to vector<72x512xf32>
    %sub3A_822 = arith.subf %slice3A_762, %sub3A_821 : vector<72x512xf32>
    %abs3A_823 = math.absf %sub3A_822 : vector<72x512xf32>
    %mul3A_824 = arith.mulf %abs3A_823, %slice3A_763 : vector<72x512xf32>
    %reduce_sum3A_825 = arith.constant dense<0.000000e+00> : vector<512xf32>
    %reduce_sum3A_826 = vector.multi_reduction <add>, %mul3A_824, %reduce_sum3A_825 [0] : vector<72x512xf32> to vector<512xf32>
    %broadcast_in_dim3A_827 = vector.shape_cast %reduce_sum3A_826 : vector<512xf32> to vector<1x512xf32>
    %slice3A_828 = vector.extract_strided_slice %mul3A_103 {offsets = [0, 8], sizes = [72, 1], strides = [1, 1]} : vector<72x16xf32> to vector<72x1xf32>
    %sub3A_829 = vector.broadcast %slice3A_828 : vector<72x1xf32> to vector<72x512xf32>
    %sub3A_830 = arith.subf %slice3A_762, %sub3A_829 : vector<72x512xf32>
    %abs3A_831 = math.absf %sub3A_830 : vector<72x512xf32>
    %mul3A_832 = arith.mulf %abs3A_831, %slice3A_763 : vector<72x512xf32>
    %reduce_sum3A_833 = arith.constant dense<0.000000e+00> : vector<512xf32>
    %reduce_sum3A_834 = vector.multi_reduction <add>, %mul3A_832, %reduce_sum3A_833 [0] : vector<72x512xf32> to vector<512xf32>
    %broadcast_in_dim3A_835 = vector.shape_cast %reduce_sum3A_834 : vector<512xf32> to vector<1x512xf32>
    %slice3A_836 = vector.extract_strided_slice %mul3A_103 {offsets = [0, 9], sizes = [72, 1], strides = [1, 1]} : vector<72x16xf32> to vector<72x1xf32>
    %sub3A_837 = vector.broadcast %slice3A_836 : vector<72x1xf32> to vector<72x512xf32>
    %sub3A_838 = arith.subf %slice3A_762, %sub3A_837 : vector<72x512xf32>
    %abs3A_839 = math.absf %sub3A_838 : vector<72x512xf32>
    %mul3A_840 = arith.mulf %abs3A_839, %slice3A_763 : vector<72x512xf32>
    %reduce_sum3A_841 = arith.constant dense<0.000000e+00> : vector<512xf32>
    %reduce_sum3A_842 = vector.multi_reduction <add>, %mul3A_840, %reduce_sum3A_841 [0] : vector<72x512xf32> to vector<512xf32>
    %broadcast_in_dim3A_843 = vector.shape_cast %reduce_sum3A_842 : vector<512xf32> to vector<1x512xf32>
    %slice3A_844 = vector.extract_strided_slice %mul3A_103 {offsets = [0, 10], sizes = [72, 1], strides = [1, 1]} : vector<72x16xf32> to vector<72x1xf32>
    %sub3A_845 = vector.broadcast %slice3A_844 : vector<72x1xf32> to vector<72x512xf32>
    %sub3A_846 = arith.subf %slice3A_762, %sub3A_845 : vector<72x512xf32>
    %abs3A_847 = math.absf %sub3A_846 : vector<72x512xf32>
    %mul3A_848 = arith.mulf %abs3A_847, %slice3A_763 : vector<72x512xf32>
    %reduce_sum3A_849 = arith.constant dense<0.000000e+00> : vector<512xf32>
    %reduce_sum3A_850 = vector.multi_reduction <add>, %mul3A_848, %reduce_sum3A_849 [0] : vector<72x512xf32> to vector<512xf32>
    %broadcast_in_dim3A_851 = vector.shape_cast %reduce_sum3A_850 : vector<512xf32> to vector<1x512xf32>
    %slice3A_852 = vector.extract_strided_slice %mul3A_103 {offsets = [0, 11], sizes = [72, 1], strides = [1, 1]} : vector<72x16xf32> to vector<72x1xf32>
    %sub3A_853 = vector.broadcast %slice3A_852 : vector<72x1xf32> to vector<72x512xf32>
    %sub3A_854 = arith.subf %slice3A_762, %sub3A_853 : vector<72x512xf32>
    %abs3A_855 = math.absf %sub3A_854 : vector<72x512xf32>
    %mul3A_856 = arith.mulf %abs3A_855, %slice3A_763 : vector<72x512xf32>
    %reduce_sum3A_857 = arith.constant dense<0.000000e+00> : vector<512xf32>
    %reduce_sum3A_858 = vector.multi_reduction <add>, %mul3A_856, %reduce_sum3A_857 [0] : vector<72x512xf32> to vector<512xf32>
    %broadcast_in_dim3A_859 = vector.shape_cast %reduce_sum3A_858 : vector<512xf32> to vector<1x512xf32>
    %slice3A_860 = vector.extract_strided_slice %mul3A_103 {offsets = [0, 12], sizes = [72, 1], strides = [1, 1]} : vector<72x16xf32> to vector<72x1xf32>
    %sub3A_861 = vector.broadcast %slice3A_860 : vector<72x1xf32> to vector<72x512xf32>
    %sub3A_862 = arith.subf %slice3A_762, %sub3A_861 : vector<72x512xf32>
    %abs3A_863 = math.absf %sub3A_862 : vector<72x512xf32>
    %mul3A_864 = arith.mulf %abs3A_863, %slice3A_763 : vector<72x512xf32>
    %reduce_sum3A_865 = arith.constant dense<0.000000e+00> : vector<512xf32>
    %reduce_sum3A_866 = vector.multi_reduction <add>, %mul3A_864, %reduce_sum3A_865 [0] : vector<72x512xf32> to vector<512xf32>
    %broadcast_in_dim3A_867 = vector.shape_cast %reduce_sum3A_866 : vector<512xf32> to vector<1x512xf32>
    %slice3A_868 = vector.extract_strided_slice %mul3A_103 {offsets = [0, 13], sizes = [72, 1], strides = [1, 1]} : vector<72x16xf32> to vector<72x1xf32>
    %sub3A_869 = vector.broadcast %slice3A_868 : vector<72x1xf32> to vector<72x512xf32>
    %sub3A_870 = arith.subf %slice3A_762, %sub3A_869 : vector<72x512xf32>
    %abs3A_871 = math.absf %sub3A_870 : vector<72x512xf32>
    %mul3A_872 = arith.mulf %abs3A_871, %slice3A_763 : vector<72x512xf32>
    %reduce_sum3A_873 = arith.constant dense<0.000000e+00> : vector<512xf32>
    %reduce_sum3A_874 = vector.multi_reduction <add>, %mul3A_872, %reduce_sum3A_873 [0] : vector<72x512xf32> to vector<512xf32>
    %broadcast_in_dim3A_875 = vector.shape_cast %reduce_sum3A_874 : vector<512xf32> to vector<1x512xf32>
    %slice3A_876 = vector.extract_strided_slice %mul3A_103 {offsets = [0, 14], sizes = [72, 1], strides = [1, 1]} : vector<72x16xf32> to vector<72x1xf32>
    %sub3A_877 = vector.broadcast %slice3A_876 : vector<72x1xf32> to vector<72x512xf32>
    %sub3A_878 = arith.subf %slice3A_762, %sub3A_877 : vector<72x512xf32>
    %abs3A_879 = math.absf %sub3A_878 : vector<72x512xf32>
    %mul3A_880 = arith.mulf %abs3A_879, %slice3A_763 : vector<72x512xf32>
    %reduce_sum3A_881 = arith.constant dense<0.000000e+00> : vector<512xf32>
    %reduce_sum3A_882 = vector.multi_reduction <add>, %mul3A_880, %reduce_sum3A_881 [0] : vector<72x512xf32> to vector<512xf32>
    %broadcast_in_dim3A_883 = vector.shape_cast %reduce_sum3A_882 : vector<512xf32> to vector<1x512xf32>
    %slice3A_884 = vector.extract_strided_slice %mul3A_103 {offsets = [0, 15], sizes = [72, 1], strides = [1, 1]} : vector<72x16xf32> to vector<72x1xf32>
    %sub3A_885 = vector.broadcast %slice3A_884 : vector<72x1xf32> to vector<72x512xf32>
    %sub3A_886 = arith.subf %slice3A_762, %sub3A_885 : vector<72x512xf32>
    %abs3A_887 = math.absf %sub3A_886 : vector<72x512xf32>
    %mul3A_888 = arith.mulf %abs3A_887, %slice3A_763 : vector<72x512xf32>
    %reduce_sum3A_889 = arith.constant dense<0.000000e+00> : vector<512xf32>
    %reduce_sum3A_890 = vector.multi_reduction <add>, %mul3A_888, %reduce_sum3A_889 [0] : vector<72x512xf32> to vector<512xf32>
    %broadcast_in_dim3A_891 = vector.shape_cast %reduce_sum3A_890 : vector<512xf32> to vector<1x512xf32>
    %concatenate3A_892 = tpu.concatenate %broadcast_in_dim3A_771, %broadcast_in_dim3A_779, %broadcast_in_dim3A_787, %broadcast_in_dim3A_795, %broadcast_in_dim3A_803, %broadcast_in_dim3A_811, %broadcast_in_dim3A_819, %broadcast_in_dim3A_827, %broadcast_in_dim3A_835, %broadcast_in_dim3A_843, %broadcast_in_dim3A_851, %broadcast_in_dim3A_859, %broadcast_in_dim3A_867, %broadcast_in_dim3A_875, %broadcast_in_dim3A_883, %broadcast_in_dim3A_891 in 0 : vector<1x512xf32>, vector<1x512xf32>, vector<1x512xf32>, vector<1x512xf32>, vector<1x512xf32>, vector<1x512xf32>, vector<1x512xf32>, vector<1x512xf32>, vector<1x512xf32>, vector<1x512xf32>, vector<1x512xf32>, vector<1x512xf32>, vector<1x512xf32>, vector<1x512xf32>, vector<1x512xf32>, vector<1x512xf32> -> vector<16x512xf32>
    %slice3A_893 = vector.extract_strided_slice %mul3A_99 {offsets = [0, 3072], sizes = [72, 512], strides = [1, 1]} : vector<72x4096xf32> to vector<72x512xf32>
    %slice3A_894 = vector.extract_strided_slice %convert_element_type3A_95 {offsets = [0, 3072], sizes = [72, 512], strides = [1, 1]} : vector<72x4096xf32> to vector<72x512xf32>
    %slice3A_895 = vector.extract_strided_slice %mul3A_103 {offsets = [0, 0], sizes = [72, 1], strides = [1, 1]} : vector<72x16xf32> to vector<72x1xf32>
    %sub3A_896 = vector.broadcast %slice3A_895 : vector<72x1xf32> to vector<72x512xf32>
    %sub3A_897 = arith.subf %slice3A_893, %sub3A_896 : vector<72x512xf32>
    %abs3A_898 = math.absf %sub3A_897 : vector<72x512xf32>
    %mul3A_899 = arith.mulf %abs3A_898, %slice3A_894 : vector<72x512xf32>
    %reduce_sum3A_900 = arith.constant dense<0.000000e+00> : vector<512xf32>
    %reduce_sum3A_901 = vector.multi_reduction <add>, %mul3A_899, %reduce_sum3A_900 [0] : vector<72x512xf32> to vector<512xf32>
    %broadcast_in_dim3A_902 = vector.shape_cast %reduce_sum3A_901 : vector<512xf32> to vector<1x512xf32>
    %slice3A_903 = vector.extract_strided_slice %mul3A_103 {offsets = [0, 1], sizes = [72, 1], strides = [1, 1]} : vector<72x16xf32> to vector<72x1xf32>
    %sub3A_904 = vector.broadcast %slice3A_903 : vector<72x1xf32> to vector<72x512xf32>
    %sub3A_905 = arith.subf %slice3A_893, %sub3A_904 : vector<72x512xf32>
    %abs3A_906 = math.absf %sub3A_905 : vector<72x512xf32>
    %mul3A_907 = arith.mulf %abs3A_906, %slice3A_894 : vector<72x512xf32>
    %reduce_sum3A_908 = arith.constant dense<0.000000e+00> : vector<512xf32>
    %reduce_sum3A_909 = vector.multi_reduction <add>, %mul3A_907, %reduce_sum3A_908 [0] : vector<72x512xf32> to vector<512xf32>
    %broadcast_in_dim3A_910 = vector.shape_cast %reduce_sum3A_909 : vector<512xf32> to vector<1x512xf32>
    %slice3A_911 = vector.extract_strided_slice %mul3A_103 {offsets = [0, 2], sizes = [72, 1], strides = [1, 1]} : vector<72x16xf32> to vector<72x1xf32>
    %sub3A_912 = vector.broadcast %slice3A_911 : vector<72x1xf32> to vector<72x512xf32>
    %sub3A_913 = arith.subf %slice3A_893, %sub3A_912 : vector<72x512xf32>
    %abs3A_914 = math.absf %sub3A_913 : vector<72x512xf32>
    %mul3A_915 = arith.mulf %abs3A_914, %slice3A_894 : vector<72x512xf32>
    %reduce_sum3A_916 = arith.constant dense<0.000000e+00> : vector<512xf32>
    %reduce_sum3A_917 = vector.multi_reduction <add>, %mul3A_915, %reduce_sum3A_916 [0] : vector<72x512xf32> to vector<512xf32>
    %broadcast_in_dim3A_918 = vector.shape_cast %reduce_sum3A_917 : vector<512xf32> to vector<1x512xf32>
    %slice3A_919 = vector.extract_strided_slice %mul3A_103 {offsets = [0, 3], sizes = [72, 1], strides = [1, 1]} : vector<72x16xf32> to vector<72x1xf32>
    %sub3A_920 = vector.broadcast %slice3A_919 : vector<72x1xf32> to vector<72x512xf32>
    %sub3A_921 = arith.subf %slice3A_893, %sub3A_920 : vector<72x512xf32>
    %abs3A_922 = math.absf %sub3A_921 : vector<72x512xf32>
    %mul3A_923 = arith.mulf %abs3A_922, %slice3A_894 : vector<72x512xf32>
    %reduce_sum3A_924 = arith.constant dense<0.000000e+00> : vector<512xf32>
    %reduce_sum3A_925 = vector.multi_reduction <add>, %mul3A_923, %reduce_sum3A_924 [0] : vector<72x512xf32> to vector<512xf32>
    %broadcast_in_dim3A_926 = vector.shape_cast %reduce_sum3A_925 : vector<512xf32> to vector<1x512xf32>
    %slice3A_927 = vector.extract_strided_slice %mul3A_103 {offsets = [0, 4], sizes = [72, 1], strides = [1, 1]} : vector<72x16xf32> to vector<72x1xf32>
    %sub3A_928 = vector.broadcast %slice3A_927 : vector<72x1xf32> to vector<72x512xf32>
    %sub3A_929 = arith.subf %slice3A_893, %sub3A_928 : vector<72x512xf32>
    %abs3A_930 = math.absf %sub3A_929 : vector<72x512xf32>
    %mul3A_931 = arith.mulf %abs3A_930, %slice3A_894 : vector<72x512xf32>
    %reduce_sum3A_932 = arith.constant dense<0.000000e+00> : vector<512xf32>
    %reduce_sum3A_933 = vector.multi_reduction <add>, %mul3A_931, %reduce_sum3A_932 [0] : vector<72x512xf32> to vector<512xf32>
    %broadcast_in_dim3A_934 = vector.shape_cast %reduce_sum3A_933 : vector<512xf32> to vector<1x512xf32>
    %slice3A_935 = vector.extract_strided_slice %mul3A_103 {offsets = [0, 5], sizes = [72, 1], strides = [1, 1]} : vector<72x16xf32> to vector<72x1xf32>
    %sub3A_936 = vector.broadcast %slice3A_935 : vector<72x1xf32> to vector<72x512xf32>
    %sub3A_937 = arith.subf %slice3A_893, %sub3A_936 : vector<72x512xf32>
    %abs3A_938 = math.absf %sub3A_937 : vector<72x512xf32>
    %mul3A_939 = arith.mulf %abs3A_938, %slice3A_894 : vector<72x512xf32>
    %reduce_sum3A_940 = arith.constant dense<0.000000e+00> : vector<512xf32>
    %reduce_sum3A_941 = vector.multi_reduction <add>, %mul3A_939, %reduce_sum3A_940 [0] : vector<72x512xf32> to vector<512xf32>
    %broadcast_in_dim3A_942 = vector.shape_cast %reduce_sum3A_941 : vector<512xf32> to vector<1x512xf32>
    %slice3A_943 = vector.extract_strided_slice %mul3A_103 {offsets = [0, 6], sizes = [72, 1], strides = [1, 1]} : vector<72x16xf32> to vector<72x1xf32>
    %sub3A_944 = vector.broadcast %slice3A_943 : vector<72x1xf32> to vector<72x512xf32>
    %sub3A_945 = arith.subf %slice3A_893, %sub3A_944 : vector<72x512xf32>
    %abs3A_946 = math.absf %sub3A_945 : vector<72x512xf32>
    %mul3A_947 = arith.mulf %abs3A_946, %slice3A_894 : vector<72x512xf32>
    %reduce_sum3A_948 = arith.constant dense<0.000000e+00> : vector<512xf32>
    %reduce_sum3A_949 = vector.multi_reduction <add>, %mul3A_947, %reduce_sum3A_948 [0] : vector<72x512xf32> to vector<512xf32>
    %broadcast_in_dim3A_950 = vector.shape_cast %reduce_sum3A_949 : vector<512xf32> to vector<1x512xf32>
    %slice3A_951 = vector.extract_strided_slice %mul3A_103 {offsets = [0, 7], sizes = [72, 1], strides = [1, 1]} : vector<72x16xf32> to vector<72x1xf32>
    %sub3A_952 = vector.broadcast %slice3A_951 : vector<72x1xf32> to vector<72x512xf32>
    %sub3A_953 = arith.subf %slice3A_893, %sub3A_952 : vector<72x512xf32>
    %abs3A_954 = math.absf %sub3A_953 : vector<72x512xf32>
    %mul3A_955 = arith.mulf %abs3A_954, %slice3A_894 : vector<72x512xf32>
    %reduce_sum3A_956 = arith.constant dense<0.000000e+00> : vector<512xf32>
    %reduce_sum3A_957 = vector.multi_reduction <add>, %mul3A_955, %reduce_sum3A_956 [0] : vector<72x512xf32> to vector<512xf32>
    %broadcast_in_dim3A_958 = vector.shape_cast %reduce_sum3A_957 : vector<512xf32> to vector<1x512xf32>
    %slice3A_959 = vector.extract_strided_slice %mul3A_103 {offsets = [0, 8], sizes = [72, 1], strides = [1, 1]} : vector<72x16xf32> to vector<72x1xf32>
    %sub3A_960 = vector.broadcast %slice3A_959 : vector<72x1xf32> to vector<72x512xf32>
    %sub3A_961 = arith.subf %slice3A_893, %sub3A_960 : vector<72x512xf32>
    %abs3A_962 = math.absf %sub3A_961 : vector<72x512xf32>
    %mul3A_963 = arith.mulf %abs3A_962, %slice3A_894 : vector<72x512xf32>
    %reduce_sum3A_964 = arith.constant dense<0.000000e+00> : vector<512xf32>
    %reduce_sum3A_965 = vector.multi_reduction <add>, %mul3A_963, %reduce_sum3A_964 [0] : vector<72x512xf32> to vector<512xf32>
    %broadcast_in_dim3A_966 = vector.shape_cast %reduce_sum3A_965 : vector<512xf32> to vector<1x512xf32>
    %slice3A_967 = vector.extract_strided_slice %mul3A_103 {offsets = [0, 9], sizes = [72, 1], strides = [1, 1]} : vector<72x16xf32> to vector<72x1xf32>
    %sub3A_968 = vector.broadcast %slice3A_967 : vector<72x1xf32> to vector<72x512xf32>
    %sub3A_969 = arith.subf %slice3A_893, %sub3A_968 : vector<72x512xf32>
    %abs3A_970 = math.absf %sub3A_969 : vector<72x512xf32>
    %mul3A_971 = arith.mulf %abs3A_970, %slice3A_894 : vector<72x512xf32>
    %reduce_sum3A_972 = arith.constant dense<0.000000e+00> : vector<512xf32>
    %reduce_sum3A_973 = vector.multi_reduction <add>, %mul3A_971, %reduce_sum3A_972 [0] : vector<72x512xf32> to vector<512xf32>
    %broadcast_in_dim3A_974 = vector.shape_cast %reduce_sum3A_973 : vector<512xf32> to vector<1x512xf32>
    %slice3A_975 = vector.extract_strided_slice %mul3A_103 {offsets = [0, 10], sizes = [72, 1], strides = [1, 1]} : vector<72x16xf32> to vector<72x1xf32>
    %sub3A_976 = vector.broadcast %slice3A_975 : vector<72x1xf32> to vector<72x512xf32>
    %sub3A_977 = arith.subf %slice3A_893, %sub3A_976 : vector<72x512xf32>
    %abs3A_978 = math.absf %sub3A_977 : vector<72x512xf32>
    %mul3A_979 = arith.mulf %abs3A_978, %slice3A_894 : vector<72x512xf32>
    %reduce_sum3A_980 = arith.constant dense<0.000000e+00> : vector<512xf32>
    %reduce_sum3A_981 = vector.multi_reduction <add>, %mul3A_979, %reduce_sum3A_980 [0] : vector<72x512xf32> to vector<512xf32>
    %broadcast_in_dim3A_982 = vector.shape_cast %reduce_sum3A_981 : vector<512xf32> to vector<1x512xf32>
    %slice3A_983 = vector.extract_strided_slice %mul3A_103 {offsets = [0, 11], sizes = [72, 1], strides = [1, 1]} : vector<72x16xf32> to vector<72x1xf32>
    %sub3A_984 = vector.broadcast %slice3A_983 : vector<72x1xf32> to vector<72x512xf32>
    %sub3A_985 = arith.subf %slice3A_893, %sub3A_984 : vector<72x512xf32>
    %abs3A_986 = math.absf %sub3A_985 : vector<72x512xf32>
    %mul3A_987 = arith.mulf %abs3A_986, %slice3A_894 : vector<72x512xf32>
    %reduce_sum3A_988 = arith.constant dense<0.000000e+00> : vector<512xf32>
    %reduce_sum3A_989 = vector.multi_reduction <add>, %mul3A_987, %reduce_sum3A_988 [0] : vector<72x512xf32> to vector<512xf32>
    %broadcast_in_dim3A_990 = vector.shape_cast %reduce_sum3A_989 : vector<512xf32> to vector<1x512xf32>
    %slice3A_991 = vector.extract_strided_slice %mul3A_103 {offsets = [0, 12], sizes = [72, 1], strides = [1, 1]} : vector<72x16xf32> to vector<72x1xf32>
    %sub3A_992 = vector.broadcast %slice3A_991 : vector<72x1xf32> to vector<72x512xf32>
    %sub3A_993 = arith.subf %slice3A_893, %sub3A_992 : vector<72x512xf32>
    %abs3A_994 = math.absf %sub3A_993 : vector<72x512xf32>
    %mul3A_995 = arith.mulf %abs3A_994, %slice3A_894 : vector<72x512xf32>
    %reduce_sum3A_996 = arith.constant dense<0.000000e+00> : vector<512xf32>
    %reduce_sum3A_997 = vector.multi_reduction <add>, %mul3A_995, %reduce_sum3A_996 [0] : vector<72x512xf32> to vector<512xf32>
    %broadcast_in_dim3A_998 = vector.shape_cast %reduce_sum3A_997 : vector<512xf32> to vector<1x512xf32>
    %slice3A_999 = vector.extract_strided_slice %mul3A_103 {offsets = [0, 13], sizes = [72, 1], strides = [1, 1]} : vector<72x16xf32> to vector<72x1xf32>
    %sub3A_1000 = vector.broadcast %slice3A_999 : vector<72x1xf32> to vector<72x512xf32>
    %sub3A_1001 = arith.subf %slice3A_893, %sub3A_1000 : vector<72x512xf32>
    %abs3A_1002 = math.absf %sub3A_1001 : vector<72x512xf32>
    %mul3A_1003 = arith.mulf %abs3A_1002, %slice3A_894 : vector<72x512xf32>
    %reduce_sum3A_1004 = arith.constant dense<0.000000e+00> : vector<512xf32>
    %reduce_sum3A_1005 = vector.multi_reduction <add>, %mul3A_1003, %reduce_sum3A_1004 [0] : vector<72x512xf32> to vector<512xf32>
    %broadcast_in_dim3A_1006 = vector.shape_cast %reduce_sum3A_1005 : vector<512xf32> to vector<1x512xf32>
    %slice3A_1007 = vector.extract_strided_slice %mul3A_103 {offsets = [0, 14], sizes = [72, 1], strides = [1, 1]} : vector<72x16xf32> to vector<72x1xf32>
    %sub3A_1008 = vector.broadcast %slice3A_1007 : vector<72x1xf32> to vector<72x512xf32>
    %sub3A_1009 = arith.subf %slice3A_893, %sub3A_1008 : vector<72x512xf32>
    %abs3A_1010 = math.absf %sub3A_1009 : vector<72x512xf32>
    %mul3A_1011 = arith.mulf %abs3A_1010, %slice3A_894 : vector<72x512xf32>
    %reduce_sum3A_1012 = arith.constant dense<0.000000e+00> : vector<512xf32>
    %reduce_sum3A_1013 = vector.multi_reduction <add>, %mul3A_1011, %reduce_sum3A_1012 [0] : vector<72x512xf32> to vector<512xf32>
    %broadcast_in_dim3A_1014 = vector.shape_cast %reduce_sum3A_1013 : vector<512xf32> to vector<1x512xf32>
    %slice3A_1015 = vector.extract_strided_slice %mul3A_103 {offsets = [0, 15], sizes = [72, 1], strides = [1, 1]} : vector<72x16xf32> to vector<72x1xf32>
    %sub3A_1016 = vector.broadcast %slice3A_1015 : vector<72x1xf32> to vector<72x512xf32>
    %sub3A_1017 = arith.subf %slice3A_893, %sub3A_1016 : vector<72x512xf32>
    %abs3A_1018 = math.absf %sub3A_1017 : vector<72x512xf32>
    %mul3A_1019 = arith.mulf %abs3A_1018, %slice3A_894 : vector<72x512xf32>
    %reduce_sum3A_1020 = arith.constant dense<0.000000e+00> : vector<512xf32>
    %reduce_sum3A_1021 = vector.multi_reduction <add>, %mul3A_1019, %reduce_sum3A_1020 [0] : vector<72x512xf32> to vector<512xf32>
    %broadcast_in_dim3A_1022 = vector.shape_cast %reduce_sum3A_1021 : vector<512xf32> to vector<1x512xf32>
    %concatenate3A_1023 = tpu.concatenate %broadcast_in_dim3A_902, %broadcast_in_dim3A_910, %broadcast_in_dim3A_918, %broadcast_in_dim3A_926, %broadcast_in_dim3A_934, %broadcast_in_dim3A_942, %broadcast_in_dim3A_950, %broadcast_in_dim3A_958, %broadcast_in_dim3A_966, %broadcast_in_dim3A_974, %broadcast_in_dim3A_982, %broadcast_in_dim3A_990, %broadcast_in_dim3A_998, %broadcast_in_dim3A_1006, %broadcast_in_dim3A_1014, %broadcast_in_dim3A_1022 in 0 : vector<1x512xf32>, vector<1x512xf32>, vector<1x512xf32>, vector<1x512xf32>, vector<1x512xf32>, vector<1x512xf32>, vector<1x512xf32>, vector<1x512xf32>, vector<1x512xf32>, vector<1x512xf32>, vector<1x512xf32>, vector<1x512xf32>, vector<1x512xf32>, vector<1x512xf32>, vector<1x512xf32>, vector<1x512xf32> -> vector<16x512xf32>
    %slice3A_1024 = vector.extract_strided_slice %mul3A_99 {offsets = [0, 3584], sizes = [72, 512], strides = [1, 1]} : vector<72x4096xf32> to vector<72x512xf32>
    %slice3A_1025 = vector.extract_strided_slice %convert_element_type3A_95 {offsets = [0, 3584], sizes = [72, 512], strides = [1, 1]} : vector<72x4096xf32> to vector<72x512xf32>
    %slice3A_1026 = vector.extract_strided_slice %mul3A_103 {offsets = [0, 0], sizes = [72, 1], strides = [1, 1]} : vector<72x16xf32> to vector<72x1xf32>
    %sub3A_1027 = vector.broadcast %slice3A_1026 : vector<72x1xf32> to vector<72x512xf32>
    %sub3A_1028 = arith.subf %slice3A_1024, %sub3A_1027 : vector<72x512xf32>
    %abs3A_1029 = math.absf %sub3A_1028 : vector<72x512xf32>
    %mul3A_1030 = arith.mulf %abs3A_1029, %slice3A_1025 : vector<72x512xf32>
    %reduce_sum3A_1031 = arith.constant dense<0.000000e+00> : vector<512xf32>
    %reduce_sum3A_1032 = vector.multi_reduction <add>, %mul3A_1030, %reduce_sum3A_1031 [0] : vector<72x512xf32> to vector<512xf32>
    %broadcast_in_dim3A_1033 = vector.shape_cast %reduce_sum3A_1032 : vector<512xf32> to vector<1x512xf32>
    %slice3A_1034 = vector.extract_strided_slice %mul3A_103 {offsets = [0, 1], sizes = [72, 1], strides = [1, 1]} : vector<72x16xf32> to vector<72x1xf32>
    %sub3A_1035 = vector.broadcast %slice3A_1034 : vector<72x1xf32> to vector<72x512xf32>
    %sub3A_1036 = arith.subf %slice3A_1024, %sub3A_1035 : vector<72x512xf32>
    %abs3A_1037 = math.absf %sub3A_1036 : vector<72x512xf32>
    %mul3A_1038 = arith.mulf %abs3A_1037, %slice3A_1025 : vector<72x512xf32>
    %reduce_sum3A_1039 = arith.constant dense<0.000000e+00> : vector<512xf32>
    %reduce_sum3A_1040 = vector.multi_reduction <add>, %mul3A_1038, %reduce_sum3A_1039 [0] : vector<72x512xf32> to vector<512xf32>
    %broadcast_in_dim3A_1041 = vector.shape_cast %reduce_sum3A_1040 : vector<512xf32> to vector<1x512xf32>
    %slice3A_1042 = vector.extract_strided_slice %mul3A_103 {offsets = [0, 2], sizes = [72, 1], strides = [1, 1]} : vector<72x16xf32> to vector<72x1xf32>
    %sub3A_1043 = vector.broadcast %slice3A_1042 : vector<72x1xf32> to vector<72x512xf32>
    %sub3A_1044 = arith.subf %slice3A_1024, %sub3A_1043 : vector<72x512xf32>
    %abs3A_1045 = math.absf %sub3A_1044 : vector<72x512xf32>
    %mul3A_1046 = arith.mulf %abs3A_1045, %slice3A_1025 : vector<72x512xf32>
    %reduce_sum3A_1047 = arith.constant dense<0.000000e+00> : vector<512xf32>
    %reduce_sum3A_1048 = vector.multi_reduction <add>, %mul3A_1046, %reduce_sum3A_1047 [0] : vector<72x512xf32> to vector<512xf32>
    %broadcast_in_dim3A_1049 = vector.shape_cast %reduce_sum3A_1048 : vector<512xf32> to vector<1x512xf32>
    %slice3A_1050 = vector.extract_strided_slice %mul3A_103 {offsets = [0, 3], sizes = [72, 1], strides = [1, 1]} : vector<72x16xf32> to vector<72x1xf32>
    %sub3A_1051 = vector.broadcast %slice3A_1050 : vector<72x1xf32> to vector<72x512xf32>
    %sub3A_1052 = arith.subf %slice3A_1024, %sub3A_1051 : vector<72x512xf32>
    %abs3A_1053 = math.absf %sub3A_1052 : vector<72x512xf32>
    %mul3A_1054 = arith.mulf %abs3A_1053, %slice3A_1025 : vector<72x512xf32>
    %reduce_sum3A_1055 = arith.constant dense<0.000000e+00> : vector<512xf32>
    %reduce_sum3A_1056 = vector.multi_reduction <add>, %mul3A_1054, %reduce_sum3A_1055 [0] : vector<72x512xf32> to vector<512xf32>
    %broadcast_in_dim3A_1057 = vector.shape_cast %reduce_sum3A_1056 : vector<512xf32> to vector<1x512xf32>
    %slice3A_1058 = vector.extract_strided_slice %mul3A_103 {offsets = [0, 4], sizes = [72, 1], strides = [1, 1]} : vector<72x16xf32> to vector<72x1xf32>
    %sub3A_1059 = vector.broadcast %slice3A_1058 : vector<72x1xf32> to vector<72x512xf32>
    %sub3A_1060 = arith.subf %slice3A_1024, %sub3A_1059 : vector<72x512xf32>
    %abs3A_1061 = math.absf %sub3A_1060 : vector<72x512xf32>
    %mul3A_1062 = arith.mulf %abs3A_1061, %slice3A_1025 : vector<72x512xf32>
    %reduce_sum3A_1063 = arith.constant dense<0.000000e+00> : vector<512xf32>
    %reduce_sum3A_1064 = vector.multi_reduction <add>, %mul3A_1062, %reduce_sum3A_1063 [0] : vector<72x512xf32> to vector<512xf32>
    %broadcast_in_dim3A_1065 = vector.shape_cast %reduce_sum3A_1064 : vector<512xf32> to vector<1x512xf32>
    %slice3A_1066 = vector.extract_strided_slice %mul3A_103 {offsets = [0, 5], sizes = [72, 1], strides = [1, 1]} : vector<72x16xf32> to vector<72x1xf32>
    %sub3A_1067 = vector.broadcast %slice3A_1066 : vector<72x1xf32> to vector<72x512xf32>
    %sub3A_1068 = arith.subf %slice3A_1024, %sub3A_1067 : vector<72x512xf32>
    %abs3A_1069 = math.absf %sub3A_1068 : vector<72x512xf32>
    %mul3A_1070 = arith.mulf %abs3A_1069, %slice3A_1025 : vector<72x512xf32>
    %reduce_sum3A_1071 = arith.constant dense<0.000000e+00> : vector<512xf32>
    %reduce_sum3A_1072 = vector.multi_reduction <add>, %mul3A_1070, %reduce_sum3A_1071 [0] : vector<72x512xf32> to vector<512xf32>
    %broadcast_in_dim3A_1073 = vector.shape_cast %reduce_sum3A_1072 : vector<512xf32> to vector<1x512xf32>
    %slice3A_1074 = vector.extract_strided_slice %mul3A_103 {offsets = [0, 6], sizes = [72, 1], strides = [1, 1]} : vector<72x16xf32> to vector<72x1xf32>
    %sub3A_1075 = vector.broadcast %slice3A_1074 : vector<72x1xf32> to vector<72x512xf32>
    %sub3A_1076 = arith.subf %slice3A_1024, %sub3A_1075 : vector<72x512xf32>
    %abs3A_1077 = math.absf %sub3A_1076 : vector<72x512xf32>
    %mul3A_1078 = arith.mulf %abs3A_1077, %slice3A_1025 : vector<72x512xf32>
    %reduce_sum3A_1079 = arith.constant dense<0.000000e+00> : vector<512xf32>
    %reduce_sum3A_1080 = vector.multi_reduction <add>, %mul3A_1078, %reduce_sum3A_1079 [0] : vector<72x512xf32> to vector<512xf32>
    %broadcast_in_dim3A_1081 = vector.shape_cast %reduce_sum3A_1080 : vector<512xf32> to vector<1x512xf32>
    %slice3A_1082 = vector.extract_strided_slice %mul3A_103 {offsets = [0, 7], sizes = [72, 1], strides = [1, 1]} : vector<72x16xf32> to vector<72x1xf32>
    %sub3A_1083 = vector.broadcast %slice3A_1082 : vector<72x1xf32> to vector<72x512xf32>
    %sub3A_1084 = arith.subf %slice3A_1024, %sub3A_1083 : vector<72x512xf32>
    %abs3A_1085 = math.absf %sub3A_1084 : vector<72x512xf32>
    %mul3A_1086 = arith.mulf %abs3A_1085, %slice3A_1025 : vector<72x512xf32>
    %reduce_sum3A_1087 = arith.constant dense<0.000000e+00> : vector<512xf32>
    %reduce_sum3A_1088 = vector.multi_reduction <add>, %mul3A_1086, %reduce_sum3A_1087 [0] : vector<72x512xf32> to vector<512xf32>
    %broadcast_in_dim3A_1089 = vector.shape_cast %reduce_sum3A_1088 : vector<512xf32> to vector<1x512xf32>
    %slice3A_1090 = vector.extract_strided_slice %mul3A_103 {offsets = [0, 8], sizes = [72, 1], strides = [1, 1]} : vector<72x16xf32> to vector<72x1xf32>
    %sub3A_1091 = vector.broadcast %slice3A_1090 : vector<72x1xf32> to vector<72x512xf32>
    %sub3A_1092 = arith.subf %slice3A_1024, %sub3A_1091 : vector<72x512xf32>
    %abs3A_1093 = math.absf %sub3A_1092 : vector<72x512xf32>
    %mul3A_1094 = arith.mulf %abs3A_1093, %slice3A_1025 : vector<72x512xf32>
    %reduce_sum3A_1095 = arith.constant dense<0.000000e+00> : vector<512xf32>
    %reduce_sum3A_1096 = vector.multi_reduction <add>, %mul3A_1094, %reduce_sum3A_1095 [0] : vector<72x512xf32> to vector<512xf32>
    %broadcast_in_dim3A_1097 = vector.shape_cast %reduce_sum3A_1096 : vector<512xf32> to vector<1x512xf32>
    %slice3A_1098 = vector.extract_strided_slice %mul3A_103 {offsets = [0, 9], sizes = [72, 1], strides = [1, 1]} : vector<72x16xf32> to vector<72x1xf32>
    %sub3A_1099 = vector.broadcast %slice3A_1098 : vector<72x1xf32> to vector<72x512xf32>
    %sub3A_1100 = arith.subf %slice3A_1024, %sub3A_1099 : vector<72x512xf32>
    %abs3A_1101 = math.absf %sub3A_1100 : vector<72x512xf32>
    %mul3A_1102 = arith.mulf %abs3A_1101, %slice3A_1025 : vector<72x512xf32>
    %reduce_sum3A_1103 = arith.constant dense<0.000000e+00> : vector<512xf32>
    %reduce_sum3A_1104 = vector.multi_reduction <add>, %mul3A_1102, %reduce_sum3A_1103 [0] : vector<72x512xf32> to vector<512xf32>
    %broadcast_in_dim3A_1105 = vector.shape_cast %reduce_sum3A_1104 : vector<512xf32> to vector<1x512xf32>
    %slice3A_1106 = vector.extract_strided_slice %mul3A_103 {offsets = [0, 10], sizes = [72, 1], strides = [1, 1]} : vector<72x16xf32> to vector<72x1xf32>
    %sub3A_1107 = vector.broadcast %slice3A_1106 : vector<72x1xf32> to vector<72x512xf32>
    %sub3A_1108 = arith.subf %slice3A_1024, %sub3A_1107 : vector<72x512xf32>
    %abs3A_1109 = math.absf %sub3A_1108 : vector<72x512xf32>
    %mul3A_1110 = arith.mulf %abs3A_1109, %slice3A_1025 : vector<72x512xf32>
    %reduce_sum3A_1111 = arith.constant dense<0.000000e+00> : vector<512xf32>
    %reduce_sum3A_1112 = vector.multi_reduction <add>, %mul3A_1110, %reduce_sum3A_1111 [0] : vector<72x512xf32> to vector<512xf32>
    %broadcast_in_dim3A_1113 = vector.shape_cast %reduce_sum3A_1112 : vector<512xf32> to vector<1x512xf32>
    %slice3A_1114 = vector.extract_strided_slice %mul3A_103 {offsets = [0, 11], sizes = [72, 1], strides = [1, 1]} : vector<72x16xf32> to vector<72x1xf32>
    %sub3A_1115 = vector.broadcast %slice3A_1114 : vector<72x1xf32> to vector<72x512xf32>
    %sub3A_1116 = arith.subf %slice3A_1024, %sub3A_1115 : vector<72x512xf32>
    %abs3A_1117 = math.absf %sub3A_1116 : vector<72x512xf32>
    %mul3A_1118 = arith.mulf %abs3A_1117, %slice3A_1025 : vector<72x512xf32>
    %reduce_sum3A_1119 = arith.constant dense<0.000000e+00> : vector<512xf32>
    %reduce_sum3A_1120 = vector.multi_reduction <add>, %mul3A_1118, %reduce_sum3A_1119 [0] : vector<72x512xf32> to vector<512xf32>
    %broadcast_in_dim3A_1121 = vector.shape_cast %reduce_sum3A_1120 : vector<512xf32> to vector<1x512xf32>
    %slice3A_1122 = vector.extract_strided_slice %mul3A_103 {offsets = [0, 12], sizes = [72, 1], strides = [1, 1]} : vector<72x16xf32> to vector<72x1xf32>
    %sub3A_1123 = vector.broadcast %slice3A_1122 : vector<72x1xf32> to vector<72x512xf32>
    %sub3A_1124 = arith.subf %slice3A_1024, %sub3A_1123 : vector<72x512xf32>
    %abs3A_1125 = math.absf %sub3A_1124 : vector<72x512xf32>
    %mul3A_1126 = arith.mulf %abs3A_1125, %slice3A_1025 : vector<72x512xf32>
    %reduce_sum3A_1127 = arith.constant dense<0.000000e+00> : vector<512xf32>
    %reduce_sum3A_1128 = vector.multi_reduction <add>, %mul3A_1126, %reduce_sum3A_1127 [0] : vector<72x512xf32> to vector<512xf32>
    %broadcast_in_dim3A_1129 = vector.shape_cast %reduce_sum3A_1128 : vector<512xf32> to vector<1x512xf32>
    %slice3A_1130 = vector.extract_strided_slice %mul3A_103 {offsets = [0, 13], sizes = [72, 1], strides = [1, 1]} : vector<72x16xf32> to vector<72x1xf32>
    %sub3A_1131 = vector.broadcast %slice3A_1130 : vector<72x1xf32> to vector<72x512xf32>
    %sub3A_1132 = arith.subf %slice3A_1024, %sub3A_1131 : vector<72x512xf32>
    %abs3A_1133 = math.absf %sub3A_1132 : vector<72x512xf32>
    %mul3A_1134 = arith.mulf %abs3A_1133, %slice3A_1025 : vector<72x512xf32>
    %reduce_sum3A_1135 = arith.constant dense<0.000000e+00> : vector<512xf32>
    %reduce_sum3A_1136 = vector.multi_reduction <add>, %mul3A_1134, %reduce_sum3A_1135 [0] : vector<72x512xf32> to vector<512xf32>
    %broadcast_in_dim3A_1137 = vector.shape_cast %reduce_sum3A_1136 : vector<512xf32> to vector<1x512xf32>
    %slice3A_1138 = vector.extract_strided_slice %mul3A_103 {offsets = [0, 14], sizes = [72, 1], strides = [1, 1]} : vector<72x16xf32> to vector<72x1xf32>
    %sub3A_1139 = vector.broadcast %slice3A_1138 : vector<72x1xf32> to vector<72x512xf32>
    %sub3A_1140 = arith.subf %slice3A_1024, %sub3A_1139 : vector<72x512xf32>
    %abs3A_1141 = math.absf %sub3A_1140 : vector<72x512xf32>
    %mul3A_1142 = arith.mulf %abs3A_1141, %slice3A_1025 : vector<72x512xf32>
    %reduce_sum3A_1143 = arith.constant dense<0.000000e+00> : vector<512xf32>
    %reduce_sum3A_1144 = vector.multi_reduction <add>, %mul3A_1142, %reduce_sum3A_1143 [0] : vector<72x512xf32> to vector<512xf32>
    %broadcast_in_dim3A_1145 = vector.shape_cast %reduce_sum3A_1144 : vector<512xf32> to vector<1x512xf32>
    %slice3A_1146 = vector.extract_strided_slice %mul3A_103 {offsets = [0, 15], sizes = [72, 1], strides = [1, 1]} : vector<72x16xf32> to vector<72x1xf32>
    %sub3A_1147 = vector.broadcast %slice3A_1146 : vector<72x1xf32> to vector<72x512xf32>
    %sub3A_1148 = arith.subf %slice3A_1024, %sub3A_1147 : vector<72x512xf32>
    %abs3A_1149 = math.absf %sub3A_1148 : vector<72x512xf32>
    %mul3A_1150 = arith.mulf %abs3A_1149, %slice3A_1025 : vector<72x512xf32>
    %reduce_sum3A_1151 = arith.constant dense<0.000000e+00> : vector<512xf32>
    %reduce_sum3A_1152 = vector.multi_reduction <add>, %mul3A_1150, %reduce_sum3A_1151 [0] : vector<72x512xf32> to vector<512xf32>
    %broadcast_in_dim3A_1153 = vector.shape_cast %reduce_sum3A_1152 : vector<512xf32> to vector<1x512xf32>
    %concatenate3A_1154 = tpu.concatenate %broadcast_in_dim3A_1033, %broadcast_in_dim3A_1041, %broadcast_in_dim3A_1049, %broadcast_in_dim3A_1057, %broadcast_in_dim3A_1065, %broadcast_in_dim3A_1073, %broadcast_in_dim3A_1081, %broadcast_in_dim3A_1089, %broadcast_in_dim3A_1097, %broadcast_in_dim3A_1105, %broadcast_in_dim3A_1113, %broadcast_in_dim3A_1121, %broadcast_in_dim3A_1129, %broadcast_in_dim3A_1137, %broadcast_in_dim3A_1145, %broadcast_in_dim3A_1153 in 0 : vector<1x512xf32>, vector<1x512xf32>, vector<1x512xf32>, vector<1x512xf32>, vector<1x512xf32>, vector<1x512xf32>, vector<1x512xf32>, vector<1x512xf32>, vector<1x512xf32>, vector<1x512xf32>, vector<1x512xf32>, vector<1x512xf32>, vector<1x512xf32>, vector<1x512xf32>, vector<1x512xf32>, vector<1x512xf32> -> vector<16x512xf32>
    %concatenate3A_1155 = tpu.concatenate %concatenate3A, %concatenate3A_368, %concatenate3A_499, %concatenate3A_630, %concatenate3A_761, %concatenate3A_892, %concatenate3A_1023, %concatenate3A_1154 in 1 : vector<16x512xf32>, vector<16x512xf32>, vector<16x512xf32>, vector<16x512xf32>, vector<16x512xf32>, vector<16x512xf32>, vector<16x512xf32>, vector<16x512xf32> -> vector<16x4096xf32>
    %sub3A_1156 = vector.broadcast %mul3A_107 : vector<1x4096xf32> to vector<16x4096xf32>
    %sub3A_1157 = arith.subf %sub3A_1156, %concatenate3A_1155 : vector<16x4096xf32>
    %add3A_1158 = vector.broadcast %mul3A_107 : vector<1x4096xf32> to vector<16x4096xf32>
    %add3A_1159 = arith.addf %add3A_1158, %concatenate3A_1155 : vector<16x4096xf32>
    %add3A_1160 = arith.constant 9.99999971E-10 : f32
    %add3A_1161 = vector.broadcast %add3A_1160 : f32 to vector<16x4096xf32>
    %add3A_1162 = arith.addf %add3A_1159, %add3A_1161 : vector<16x4096xf32>
    %div3A_1163 = arith.divf %sub3A_1157, %add3A_1162 : vector<16x4096xf32>
    %iota3A_1164 = tpu.iota {dimensions = array<i32: 0>} : vector<16x1xi32>
    %convert_element_type3A_1165 = arith.sitofp %iota3A_1164 : vector<16x1xi32> to vector<16x1xf32>
    %ne3A = arith.constant 0.000000e+00 : f32
    %ne3A_1166 = vector.broadcast %ne3A : f32 to vector<16x1xf32>
    %ne3A_1167 = arith.cmpf one, %get3A_29, %ne3A_1166 : vector<16x1xf32>
    %convert_element_type3A_1168 = arith.extui %ne3A_1167 : vector<16x1xi1> to vector<16x1xi32>
    %convert_element_type3A_1169 = arith.sitofp %convert_element_type3A_1168 : vector<16x1xi32> to vector<16x1xf32>
    %reduce_sum3A_1170 = vector.shape_cast %convert_element_type3A_1169 : vector<16x1xf32> to vector<1x16x1xf32>
    %reduce_sum3A_1171 = arith.constant dense<0.000000e+00> : vector<1xf32>
    %reduce_sum3A_1172 = vector.multi_reduction <add>, %reduce_sum3A_1170, %reduce_sum3A_1171 [1, 2] : vector<1x16x1xf32> to vector<1xf32>
    %reduce_sum3A_1173 = vector.shape_cast %reduce_sum3A_1172 : vector<1xf32> to vector<1x1x1xf32>
    %reduce_sum3A_1174 = vector.extract %reduce_sum3A_1173[0, 0, 0] : f32 from vector<1x1x1xf32>
    %lt3A = vector.broadcast %reduce_sum3A_1174 : f32 to vector<16x1xf32>
    %lt3A_1175 = arith.cmpf olt, %convert_element_type3A_1165, %lt3A : vector<16x1xf32>
    %jit3A = arith.constant 0.000000e+00 : f32
    %broadcast_in_dim3A_1176 = vector.shape_cast %lt3A_1175 : vector<16x1xi1> to vector<16x1xi1>
    %broadcast_in_dim3A_1177 = vector.broadcast %broadcast_in_dim3A_1176 : vector<16x1xi1> to vector<16x4096xi1>
    %broadcast_in_dim3A_1178 = vector.broadcast %jit3A : f32 to vector<16x4096xf32>
    %select_n3A = arith.select %broadcast_in_dim3A_1177, %div3A_1163, %broadcast_in_dim3A_1178 : vector<16x4096xi1>, vector<16x4096xf32>
    %sub3A_1179 = arith.constant 1.000000e+00 : f32
    %sub3A_1180 = vector.broadcast %sub3A_1179 : f32 to vector<16x4096xf32>
    %sub3A_1181 = arith.subf %sub3A_1180, %select_n3A : vector<16x4096xf32>
    %ne3A_1182 = arith.constant 0.000000e+00 : f32
    %ne3A_1183 = vector.broadcast %ne3A_1182 : f32 to vector<16x1xf32>
    %ne3A_1184 = arith.cmpf one, %get3A_29, %ne3A_1183 : vector<16x1xf32>
    %convert_element_type3A_1185 = arith.extui %ne3A_1184 : vector<16x1xi1> to vector<16x1xi32>
    %convert_element_type3A_1186 = arith.sitofp %convert_element_type3A_1185 : vector<16x1xi32> to vector<16x1xf32>
    %sub3A_1187 = arith.constant 1.000000e+00 : f32
    %sub3A_1188 = vector.broadcast %sub3A_1187 : f32 to vector<16x1xf32>
    %sub3A_1189 = arith.subf %sub3A_1188, %convert_element_type3A_1186 : vector<16x1xf32>
    %mul3A_1190 = arith.constant 1.000000e+05 : f32
    %mul3A_1191 = vector.broadcast %mul3A_1190 : f32 to vector<16x1xf32>
    %mul3A_1192 = arith.mulf %mul3A_1191, %sub3A_1189 : vector<16x1xf32>
    %mul3A_1193 = arith.constant 4.000000e+00 : f32
    %mul3A_1194 = vector.broadcast %mul3A_1193 : f32 to vector<1x4096xf32>
    %mul3A_1195 = arith.mulf %mul3A_1194, %neg3A_37 : vector<1x4096xf32>
    %mul3A_1196 = arith.constant 5.000000e+00 : f32
    %mul3A_1197 = vector.broadcast %mul3A_1196 : f32 to vector<16x4096xf32>
    %mul3A_1198 = arith.mulf %mul3A_1197, %add3A_81 : vector<16x4096xf32>
    %add3A_1199 = vector.broadcast %mul3A_1195 : vector<1x4096xf32> to vector<16x4096xf32>
    %add3A_1200 = arith.addf %add3A_1199, %mul3A_1198 : vector<16x4096xf32>
    %mul3A_1201 = arith.constant 2.000000e+00 : f32
    %mul3A_1202 = vector.broadcast %mul3A_1201 : f32 to vector<16x4096xf32>
    %mul3A_1203 = arith.mulf %mul3A_1202, %sub3A_1181 : vector<16x4096xf32>
    %add3A_1204 = arith.addf %add3A_1200, %mul3A_1203 : vector<16x4096xf32>
    %add3A_1205 = vector.broadcast %mul3A_1192 : vector<16x1xf32> to vector<16x4096xf32>
    %add3A_1206 = arith.addf %add3A_1204, %add3A_1205 : vector<16x4096xf32>
    %iota3A_1207 = tpu.iota {dimensions = array<i32: 1>} : vector<16x4096xi32>
    %convert_element_type3A_1208 = arith.sitofp %iota3A_1207 : vector<16x4096xi32> to vector<16x4096xf32>
    %broadcast_in_dim3A_1209 = arith.constant 0.000000e+00 : f32
    %broadcast_in_dim3A_1210 = vector.broadcast %broadcast_in_dim3A_1209 : f32 to vector<16x1xf32>
    %broadcast_in_dim3A_1211 = arith.constant 1.000000e+01 : f32
    %broadcast_in_dim3A_1212 = vector.broadcast %broadcast_in_dim3A_1211 : f32 to vector<16x4096xf32>
    %reduce_max3A = arith.constant dense<0xFF800000> : vector<16xf32>
    %reduce_max3A_1213 = vector.multi_reduction <maximumf>, %select_n3A, %reduce_max3A [1] : vector<16x4096xf32> to vector<16xf32>
    %broadcast_in_dim3A_1214 = vector.shape_cast %reduce_max3A_1213 : vector<16xf32> to vector<16x1xf32>
    %add3A_1215 = arith.addf %broadcast_in_dim3A_1210, %broadcast_in_dim3A_1214 : vector<16x1xf32>
    %eq3A = vector.broadcast %broadcast_in_dim3A_1214 : vector<16x1xf32> to vector<16x4096xf32>
    %eq3A_1216 = arith.cmpf oeq, %select_n3A, %eq3A : vector<16x4096xf32>
    %jit3A_1217 = arith.constant 4.096000e+03 : f32
    %broadcast_in_dim3A_1218 = vector.broadcast %jit3A_1217 : f32 to vector<16x4096xf32>
    %select_n3A_1219 = arith.select %eq3A_1216, %convert_element_type3A_1208, %broadcast_in_dim3A_1218 : vector<16x4096xi1>, vector<16x4096xf32>
    %reduce_min3A = arith.constant dense<0x7F800000> : vector<16xf32>
    %reduce_min3A_1220 = vector.multi_reduction <minimumf>, %select_n3A_1219, %reduce_min3A [1] : vector<16x4096xf32> to vector<16xf32>
    %broadcast_in_dim3A_1221 = vector.shape_cast %reduce_min3A_1220 : vector<16xf32> to vector<16x1xf32>
    %eq3A_1222 = vector.broadcast %broadcast_in_dim3A_1221 : vector<16x1xf32> to vector<16x4096xf32>
    %eq3A_1223 = arith.cmpf oeq, %convert_element_type3A_1208, %eq3A_1222 : vector<16x4096xf32>
    %jit3A_1224 = arith.constant 0xFF800000 : f32
    %broadcast_in_dim3A_1225 = vector.broadcast %jit3A_1224 : f32 to vector<16x4096xf32>
    %select_n3A_1226 = arith.select %eq3A_1223, %broadcast_in_dim3A_1225, %select_n3A : vector<16x4096xi1>, vector<16x4096xf32>
    %reduce_min3A_1227 = arith.constant dense<0x7F800000> : vector<16xf32>
    %reduce_min3A_1228 = vector.multi_reduction <minimumf>, %add3A_1206, %reduce_min3A_1227 [1] : vector<16x4096xf32> to vector<16xf32>
    %broadcast_in_dim3A_1229 = vector.shape_cast %reduce_min3A_1228 : vector<16xf32> to vector<16x1xf32>
    %eq3A_1230 = vector.broadcast %broadcast_in_dim3A_1229 : vector<16x1xf32> to vector<16x4096xf32>
    %eq3A_1231 = arith.cmpf oeq, %add3A_1206, %eq3A_1230 : vector<16x4096xf32>
    %jit3A_1232 = arith.constant 4.096000e+03 : f32
    %broadcast_in_dim3A_1233 = vector.broadcast %jit3A_1232 : f32 to vector<16x4096xf32>
    %select_n3A_1234 = arith.select %eq3A_1231, %convert_element_type3A_1208, %broadcast_in_dim3A_1233 : vector<16x4096xi1>, vector<16x4096xf32>
    %reduce_min3A_1235 = arith.constant dense<0x7F800000> : vector<16xf32>
    %reduce_min3A_1236 = vector.multi_reduction <minimumf>, %select_n3A_1234, %reduce_min3A_1235 [1] : vector<16x4096xf32> to vector<16xf32>
    %broadcast_in_dim3A_1237 = vector.shape_cast %reduce_min3A_1236 : vector<16xf32> to vector<16x1xf32>
    %eq3A_1238 = vector.broadcast %broadcast_in_dim3A_1237 : vector<16x1xf32> to vector<16x4096xf32>
    %eq3A_1239 = arith.cmpf oeq, %convert_element_type3A_1208, %eq3A_1238 : vector<16x4096xf32>
    %jit3A_1240 = arith.constant 0.000000e+00 : f32
    %broadcast_in_dim3A_1241 = vector.broadcast %jit3A_1240 : f32 to vector<16x4096xf32>
    %select_n3A_1242 = arith.select %eq3A_1239, %broadcast_in_dim3A_1241, %broadcast_in_dim3A_1212 : vector<16x4096xi1>, vector<16x4096xf32>
    %jit3A_1243 = arith.constant 0x7F800000 : f32
    %broadcast_in_dim3A_1244 = vector.broadcast %jit3A_1243 : f32 to vector<16x4096xf32>
    %select_n3A_1245 = arith.select %eq3A_1239, %broadcast_in_dim3A_1244, %add3A_1206 : vector<16x4096xi1>, vector<16x4096xf32>
    %reduce_max3A_1246 = arith.constant dense<0xFF800000> : vector<16xf32>
    %reduce_max3A_1247 = vector.multi_reduction <maximumf>, %select_n3A_1226, %reduce_max3A_1246 [1] : vector<16x4096xf32> to vector<16xf32>
    %broadcast_in_dim3A_1248 = vector.shape_cast %reduce_max3A_1247 : vector<16xf32> to vector<16x1xf32>
    %add3A_1249 = arith.addf %add3A_1215, %broadcast_in_dim3A_1248 : vector<16x1xf32>
    %eq3A_1250 = vector.broadcast %broadcast_in_dim3A_1248 : vector<16x1xf32> to vector<16x4096xf32>
    %eq3A_1251 = arith.cmpf oeq, %select_n3A_1226, %eq3A_1250 : vector<16x4096xf32>
    %jit3A_1252 = arith.constant 4.096000e+03 : f32
    %broadcast_in_dim3A_1253 = vector.broadcast %jit3A_1252 : f32 to vector<16x4096xf32>
    %select_n3A_1254 = arith.select %eq3A_1251, %convert_element_type3A_1208, %broadcast_in_dim3A_1253 : vector<16x4096xi1>, vector<16x4096xf32>
    %reduce_min3A_1255 = arith.constant dense<0x7F800000> : vector<16xf32>
    %reduce_min3A_1256 = vector.multi_reduction <minimumf>, %select_n3A_1254, %reduce_min3A_1255 [1] : vector<16x4096xf32> to vector<16xf32>
    %broadcast_in_dim3A_1257 = vector.shape_cast %reduce_min3A_1256 : vector<16xf32> to vector<16x1xf32>
    %eq3A_1258 = vector.broadcast %broadcast_in_dim3A_1257 : vector<16x1xf32> to vector<16x4096xf32>
    %eq3A_1259 = arith.cmpf oeq, %convert_element_type3A_1208, %eq3A_1258 : vector<16x4096xf32>
    %jit3A_1260 = arith.constant 0xFF800000 : f32
    %broadcast_in_dim3A_1261 = vector.broadcast %jit3A_1260 : f32 to vector<16x4096xf32>
    %select_n3A_1262 = arith.select %eq3A_1259, %broadcast_in_dim3A_1261, %select_n3A_1226 : vector<16x4096xi1>, vector<16x4096xf32>
    %reduce_min3A_1263 = arith.constant dense<0x7F800000> : vector<16xf32>
    %reduce_min3A_1264 = vector.multi_reduction <minimumf>, %select_n3A_1245, %reduce_min3A_1263 [1] : vector<16x4096xf32> to vector<16xf32>
    %broadcast_in_dim3A_1265 = vector.shape_cast %reduce_min3A_1264 : vector<16xf32> to vector<16x1xf32>
    %eq3A_1266 = vector.broadcast %broadcast_in_dim3A_1265 : vector<16x1xf32> to vector<16x4096xf32>
    %eq3A_1267 = arith.cmpf oeq, %select_n3A_1245, %eq3A_1266 : vector<16x4096xf32>
    %jit3A_1268 = arith.constant 4.096000e+03 : f32
    %broadcast_in_dim3A_1269 = vector.broadcast %jit3A_1268 : f32 to vector<16x4096xf32>
    %select_n3A_1270 = arith.select %eq3A_1267, %convert_element_type3A_1208, %broadcast_in_dim3A_1269 : vector<16x4096xi1>, vector<16x4096xf32>
    %reduce_min3A_1271 = arith.constant dense<0x7F800000> : vector<16xf32>
    %reduce_min3A_1272 = vector.multi_reduction <minimumf>, %select_n3A_1270, %reduce_min3A_1271 [1] : vector<16x4096xf32> to vector<16xf32>
    %broadcast_in_dim3A_1273 = vector.shape_cast %reduce_min3A_1272 : vector<16xf32> to vector<16x1xf32>
    %eq3A_1274 = vector.broadcast %broadcast_in_dim3A_1273 : vector<16x1xf32> to vector<16x4096xf32>
    %eq3A_1275 = arith.cmpf oeq, %convert_element_type3A_1208, %eq3A_1274 : vector<16x4096xf32>
    %jit3A_1276 = arith.constant 1.000000e+00 : f32
    %broadcast_in_dim3A_1277 = vector.broadcast %jit3A_1276 : f32 to vector<16x4096xf32>
    %select_n3A_1278 = arith.select %eq3A_1275, %broadcast_in_dim3A_1277, %select_n3A_1242 : vector<16x4096xi1>, vector<16x4096xf32>
    %jit3A_1279 = arith.constant 0x7F800000 : f32
    %broadcast_in_dim3A_1280 = vector.broadcast %jit3A_1279 : f32 to vector<16x4096xf32>
    %select_n3A_1281 = arith.select %eq3A_1275, %broadcast_in_dim3A_1280, %select_n3A_1245 : vector<16x4096xi1>, vector<16x4096xf32>
    %reduce_max3A_1282 = arith.constant dense<0xFF800000> : vector<16xf32>
    %reduce_max3A_1283 = vector.multi_reduction <maximumf>, %select_n3A_1262, %reduce_max3A_1282 [1] : vector<16x4096xf32> to vector<16xf32>
    %broadcast_in_dim3A_1284 = vector.shape_cast %reduce_max3A_1283 : vector<16xf32> to vector<16x1xf32>
    %add3A_1285 = arith.addf %add3A_1249, %broadcast_in_dim3A_1284 : vector<16x1xf32>
    %eq3A_1286 = vector.broadcast %broadcast_in_dim3A_1284 : vector<16x1xf32> to vector<16x4096xf32>
    %eq3A_1287 = arith.cmpf oeq, %select_n3A_1262, %eq3A_1286 : vector<16x4096xf32>
    %jit3A_1288 = arith.constant 4.096000e+03 : f32
    %broadcast_in_dim3A_1289 = vector.broadcast %jit3A_1288 : f32 to vector<16x4096xf32>
    %select_n3A_1290 = arith.select %eq3A_1287, %convert_element_type3A_1208, %broadcast_in_dim3A_1289 : vector<16x4096xi1>, vector<16x4096xf32>
    %reduce_min3A_1291 = arith.constant dense<0x7F800000> : vector<16xf32>
    %reduce_min3A_1292 = vector.multi_reduction <minimumf>, %select_n3A_1290, %reduce_min3A_1291 [1] : vector<16x4096xf32> to vector<16xf32>
    %broadcast_in_dim3A_1293 = vector.shape_cast %reduce_min3A_1292 : vector<16xf32> to vector<16x1xf32>
    %eq3A_1294 = vector.broadcast %broadcast_in_dim3A_1293 : vector<16x1xf32> to vector<16x4096xf32>
    %eq3A_1295 = arith.cmpf oeq, %convert_element_type3A_1208, %eq3A_1294 : vector<16x4096xf32>
    %jit3A_1296 = arith.constant 0xFF800000 : f32
    %broadcast_in_dim3A_1297 = vector.broadcast %jit3A_1296 : f32 to vector<16x4096xf32>
    %select_n3A_1298 = arith.select %eq3A_1295, %broadcast_in_dim3A_1297, %select_n3A_1262 : vector<16x4096xi1>, vector<16x4096xf32>
    %reduce_min3A_1299 = arith.constant dense<0x7F800000> : vector<16xf32>
    %reduce_min3A_1300 = vector.multi_reduction <minimumf>, %select_n3A_1281, %reduce_min3A_1299 [1] : vector<16x4096xf32> to vector<16xf32>
    %broadcast_in_dim3A_1301 = vector.shape_cast %reduce_min3A_1300 : vector<16xf32> to vector<16x1xf32>
    %eq3A_1302 = vector.broadcast %broadcast_in_dim3A_1301 : vector<16x1xf32> to vector<16x4096xf32>
    %eq3A_1303 = arith.cmpf oeq, %select_n3A_1281, %eq3A_1302 : vector<16x4096xf32>
    %jit3A_1304 = arith.constant 4.096000e+03 : f32
    %broadcast_in_dim3A_1305 = vector.broadcast %jit3A_1304 : f32 to vector<16x4096xf32>
    %select_n3A_1306 = arith.select %eq3A_1303, %convert_element_type3A_1208, %broadcast_in_dim3A_1305 : vector<16x4096xi1>, vector<16x4096xf32>
    %reduce_min3A_1307 = arith.constant dense<0x7F800000> : vector<16xf32>
    %reduce_min3A_1308 = vector.multi_reduction <minimumf>, %select_n3A_1306, %reduce_min3A_1307 [1] : vector<16x4096xf32> to vector<16xf32>
    %broadcast_in_dim3A_1309 = vector.shape_cast %reduce_min3A_1308 : vector<16xf32> to vector<16x1xf32>
    %eq3A_1310 = vector.broadcast %broadcast_in_dim3A_1309 : vector<16x1xf32> to vector<16x4096xf32>
    %eq3A_1311 = arith.cmpf oeq, %convert_element_type3A_1208, %eq3A_1310 : vector<16x4096xf32>
    %jit3A_1312 = arith.constant 2.000000e+00 : f32
    %broadcast_in_dim3A_1313 = vector.broadcast %jit3A_1312 : f32 to vector<16x4096xf32>
    %select_n3A_1314 = arith.select %eq3A_1311, %broadcast_in_dim3A_1313, %select_n3A_1278 : vector<16x4096xi1>, vector<16x4096xf32>
    %jit3A_1315 = arith.constant 0x7F800000 : f32
    %broadcast_in_dim3A_1316 = vector.broadcast %jit3A_1315 : f32 to vector<16x4096xf32>
    %select_n3A_1317 = arith.select %eq3A_1311, %broadcast_in_dim3A_1316, %select_n3A_1281 : vector<16x4096xi1>, vector<16x4096xf32>
    %reduce_max3A_1318 = arith.constant dense<0xFF800000> : vector<16xf32>
    %reduce_max3A_1319 = vector.multi_reduction <maximumf>, %select_n3A_1298, %reduce_max3A_1318 [1] : vector<16x4096xf32> to vector<16xf32>
    %broadcast_in_dim3A_1320 = vector.shape_cast %reduce_max3A_1319 : vector<16xf32> to vector<16x1xf32>
    %add3A_1321 = arith.addf %add3A_1285, %broadcast_in_dim3A_1320 : vector<16x1xf32>
    %eq3A_1322 = vector.broadcast %broadcast_in_dim3A_1320 : vector<16x1xf32> to vector<16x4096xf32>
    %eq3A_1323 = arith.cmpf oeq, %select_n3A_1298, %eq3A_1322 : vector<16x4096xf32>
    %jit3A_1324 = arith.constant 4.096000e+03 : f32
    %broadcast_in_dim3A_1325 = vector.broadcast %jit3A_1324 : f32 to vector<16x4096xf32>
    %select_n3A_1326 = arith.select %eq3A_1323, %convert_element_type3A_1208, %broadcast_in_dim3A_1325 : vector<16x4096xi1>, vector<16x4096xf32>
    %reduce_min3A_1327 = arith.constant dense<0x7F800000> : vector<16xf32>
    %reduce_min3A_1328 = vector.multi_reduction <minimumf>, %select_n3A_1326, %reduce_min3A_1327 [1] : vector<16x4096xf32> to vector<16xf32>
    %broadcast_in_dim3A_1329 = vector.shape_cast %reduce_min3A_1328 : vector<16xf32> to vector<16x1xf32>
    %eq3A_1330 = vector.broadcast %broadcast_in_dim3A_1329 : vector<16x1xf32> to vector<16x4096xf32>
    %eq3A_1331 = arith.cmpf oeq, %convert_element_type3A_1208, %eq3A_1330 : vector<16x4096xf32>
    %jit3A_1332 = arith.constant 0xFF800000 : f32
    %broadcast_in_dim3A_1333 = vector.broadcast %jit3A_1332 : f32 to vector<16x4096xf32>
    %select_n3A_1334 = arith.select %eq3A_1331, %broadcast_in_dim3A_1333, %select_n3A_1298 : vector<16x4096xi1>, vector<16x4096xf32>
    %reduce_min3A_1335 = arith.constant dense<0x7F800000> : vector<16xf32>
    %reduce_min3A_1336 = vector.multi_reduction <minimumf>, %select_n3A_1317, %reduce_min3A_1335 [1] : vector<16x4096xf32> to vector<16xf32>
    %broadcast_in_dim3A_1337 = vector.shape_cast %reduce_min3A_1336 : vector<16xf32> to vector<16x1xf32>
    %eq3A_1338 = vector.broadcast %broadcast_in_dim3A_1337 : vector<16x1xf32> to vector<16x4096xf32>
    %eq3A_1339 = arith.cmpf oeq, %select_n3A_1317, %eq3A_1338 : vector<16x4096xf32>
    %jit3A_1340 = arith.constant 4.096000e+03 : f32
    %broadcast_in_dim3A_1341 = vector.broadcast %jit3A_1340 : f32 to vector<16x4096xf32>
    %select_n3A_1342 = arith.select %eq3A_1339, %convert_element_type3A_1208, %broadcast_in_dim3A_1341 : vector<16x4096xi1>, vector<16x4096xf32>
    %reduce_min3A_1343 = arith.constant dense<0x7F800000> : vector<16xf32>
    %reduce_min3A_1344 = vector.multi_reduction <minimumf>, %select_n3A_1342, %reduce_min3A_1343 [1] : vector<16x4096xf32> to vector<16xf32>
    %broadcast_in_dim3A_1345 = vector.shape_cast %reduce_min3A_1344 : vector<16xf32> to vector<16x1xf32>
    %eq3A_1346 = vector.broadcast %broadcast_in_dim3A_1345 : vector<16x1xf32> to vector<16x4096xf32>
    %eq3A_1347 = arith.cmpf oeq, %convert_element_type3A_1208, %eq3A_1346 : vector<16x4096xf32>
    %jit3A_1348 = arith.constant 3.000000e+00 : f32
    %broadcast_in_dim3A_1349 = vector.broadcast %jit3A_1348 : f32 to vector<16x4096xf32>
    %select_n3A_1350 = arith.select %eq3A_1347, %broadcast_in_dim3A_1349, %select_n3A_1314 : vector<16x4096xi1>, vector<16x4096xf32>
    %jit3A_1351 = arith.constant 0x7F800000 : f32
    %broadcast_in_dim3A_1352 = vector.broadcast %jit3A_1351 : f32 to vector<16x4096xf32>
    %select_n3A_1353 = arith.select %eq3A_1347, %broadcast_in_dim3A_1352, %select_n3A_1317 : vector<16x4096xi1>, vector<16x4096xf32>
    %reduce_max3A_1354 = arith.constant dense<0xFF800000> : vector<16xf32>
    %reduce_max3A_1355 = vector.multi_reduction <maximumf>, %select_n3A_1334, %reduce_max3A_1354 [1] : vector<16x4096xf32> to vector<16xf32>
    %broadcast_in_dim3A_1356 = vector.shape_cast %reduce_max3A_1355 : vector<16xf32> to vector<16x1xf32>
    %add3A_1357 = arith.addf %add3A_1321, %broadcast_in_dim3A_1356 : vector<16x1xf32>
    %eq3A_1358 = vector.broadcast %broadcast_in_dim3A_1356 : vector<16x1xf32> to vector<16x4096xf32>
    %eq3A_1359 = arith.cmpf oeq, %select_n3A_1334, %eq3A_1358 : vector<16x4096xf32>
    %jit3A_1360 = arith.constant 4.096000e+03 : f32
    %broadcast_in_dim3A_1361 = vector.broadcast %jit3A_1360 : f32 to vector<16x4096xf32>
    %select_n3A_1362 = arith.select %eq3A_1359, %convert_element_type3A_1208, %broadcast_in_dim3A_1361 : vector<16x4096xi1>, vector<16x4096xf32>
    %reduce_min3A_1363 = arith.constant dense<0x7F800000> : vector<16xf32>
    %reduce_min3A_1364 = vector.multi_reduction <minimumf>, %select_n3A_1362, %reduce_min3A_1363 [1] : vector<16x4096xf32> to vector<16xf32>
    %broadcast_in_dim3A_1365 = vector.shape_cast %reduce_min3A_1364 : vector<16xf32> to vector<16x1xf32>
    %eq3A_1366 = vector.broadcast %broadcast_in_dim3A_1365 : vector<16x1xf32> to vector<16x4096xf32>
    %eq3A_1367 = arith.cmpf oeq, %convert_element_type3A_1208, %eq3A_1366 : vector<16x4096xf32>
    %jit3A_1368 = arith.constant 0xFF800000 : f32
    %broadcast_in_dim3A_1369 = vector.broadcast %jit3A_1368 : f32 to vector<16x4096xf32>
    %select_n3A_1370 = arith.select %eq3A_1367, %broadcast_in_dim3A_1369, %select_n3A_1334 : vector<16x4096xi1>, vector<16x4096xf32>
    %reduce_min3A_1371 = arith.constant dense<0x7F800000> : vector<16xf32>
    %reduce_min3A_1372 = vector.multi_reduction <minimumf>, %select_n3A_1353, %reduce_min3A_1371 [1] : vector<16x4096xf32> to vector<16xf32>
    %broadcast_in_dim3A_1373 = vector.shape_cast %reduce_min3A_1372 : vector<16xf32> to vector<16x1xf32>
    %eq3A_1374 = vector.broadcast %broadcast_in_dim3A_1373 : vector<16x1xf32> to vector<16x4096xf32>
    %eq3A_1375 = arith.cmpf oeq, %select_n3A_1353, %eq3A_1374 : vector<16x4096xf32>
    %jit3A_1376 = arith.constant 4.096000e+03 : f32
    %broadcast_in_dim3A_1377 = vector.broadcast %jit3A_1376 : f32 to vector<16x4096xf32>
    %select_n3A_1378 = arith.select %eq3A_1375, %convert_element_type3A_1208, %broadcast_in_dim3A_1377 : vector<16x4096xi1>, vector<16x4096xf32>
    %reduce_min3A_1379 = arith.constant dense<0x7F800000> : vector<16xf32>
    %reduce_min3A_1380 = vector.multi_reduction <minimumf>, %select_n3A_1378, %reduce_min3A_1379 [1] : vector<16x4096xf32> to vector<16xf32>
    %broadcast_in_dim3A_1381 = vector.shape_cast %reduce_min3A_1380 : vector<16xf32> to vector<16x1xf32>
    %eq3A_1382 = vector.broadcast %broadcast_in_dim3A_1381 : vector<16x1xf32> to vector<16x4096xf32>
    %eq3A_1383 = arith.cmpf oeq, %convert_element_type3A_1208, %eq3A_1382 : vector<16x4096xf32>
    %jit3A_1384 = arith.constant 4.000000e+00 : f32
    %broadcast_in_dim3A_1385 = vector.broadcast %jit3A_1384 : f32 to vector<16x4096xf32>
    %select_n3A_1386 = arith.select %eq3A_1383, %broadcast_in_dim3A_1385, %select_n3A_1350 : vector<16x4096xi1>, vector<16x4096xf32>
    %jit3A_1387 = arith.constant 0x7F800000 : f32
    %broadcast_in_dim3A_1388 = vector.broadcast %jit3A_1387 : f32 to vector<16x4096xf32>
    %select_n3A_1389 = arith.select %eq3A_1383, %broadcast_in_dim3A_1388, %select_n3A_1353 : vector<16x4096xi1>, vector<16x4096xf32>
    %reduce_max3A_1390 = arith.constant dense<0xFF800000> : vector<16xf32>
    %reduce_max3A_1391 = vector.multi_reduction <maximumf>, %select_n3A_1370, %reduce_max3A_1390 [1] : vector<16x4096xf32> to vector<16xf32>
    %broadcast_in_dim3A_1392 = vector.shape_cast %reduce_max3A_1391 : vector<16xf32> to vector<16x1xf32>
    %add3A_1393 = arith.addf %add3A_1357, %broadcast_in_dim3A_1392 : vector<16x1xf32>
    %eq3A_1394 = vector.broadcast %broadcast_in_dim3A_1392 : vector<16x1xf32> to vector<16x4096xf32>
    %eq3A_1395 = arith.cmpf oeq, %select_n3A_1370, %eq3A_1394 : vector<16x4096xf32>
    %jit3A_1396 = arith.constant 4.096000e+03 : f32
    %broadcast_in_dim3A_1397 = vector.broadcast %jit3A_1396 : f32 to vector<16x4096xf32>
    %select_n3A_1398 = arith.select %eq3A_1395, %convert_element_type3A_1208, %broadcast_in_dim3A_1397 : vector<16x4096xi1>, vector<16x4096xf32>
    %reduce_min3A_1399 = arith.constant dense<0x7F800000> : vector<16xf32>
    %reduce_min3A_1400 = vector.multi_reduction <minimumf>, %select_n3A_1398, %reduce_min3A_1399 [1] : vector<16x4096xf32> to vector<16xf32>
    %broadcast_in_dim3A_1401 = vector.shape_cast %reduce_min3A_1400 : vector<16xf32> to vector<16x1xf32>
    %eq3A_1402 = vector.broadcast %broadcast_in_dim3A_1401 : vector<16x1xf32> to vector<16x4096xf32>
    %eq3A_1403 = arith.cmpf oeq, %convert_element_type3A_1208, %eq3A_1402 : vector<16x4096xf32>
    %jit3A_1404 = arith.constant 0xFF800000 : f32
    %broadcast_in_dim3A_1405 = vector.broadcast %jit3A_1404 : f32 to vector<16x4096xf32>
    %select_n3A_1406 = arith.select %eq3A_1403, %broadcast_in_dim3A_1405, %select_n3A_1370 : vector<16x4096xi1>, vector<16x4096xf32>
    %reduce_min3A_1407 = arith.constant dense<0x7F800000> : vector<16xf32>
    %reduce_min3A_1408 = vector.multi_reduction <minimumf>, %select_n3A_1389, %reduce_min3A_1407 [1] : vector<16x4096xf32> to vector<16xf32>
    %broadcast_in_dim3A_1409 = vector.shape_cast %reduce_min3A_1408 : vector<16xf32> to vector<16x1xf32>
    %eq3A_1410 = vector.broadcast %broadcast_in_dim3A_1409 : vector<16x1xf32> to vector<16x4096xf32>
    %eq3A_1411 = arith.cmpf oeq, %select_n3A_1389, %eq3A_1410 : vector<16x4096xf32>
    %jit3A_1412 = arith.constant 4.096000e+03 : f32
    %broadcast_in_dim3A_1413 = vector.broadcast %jit3A_1412 : f32 to vector<16x4096xf32>
    %select_n3A_1414 = arith.select %eq3A_1411, %convert_element_type3A_1208, %broadcast_in_dim3A_1413 : vector<16x4096xi1>, vector<16x4096xf32>
    %reduce_min3A_1415 = arith.constant dense<0x7F800000> : vector<16xf32>
    %reduce_min3A_1416 = vector.multi_reduction <minimumf>, %select_n3A_1414, %reduce_min3A_1415 [1] : vector<16x4096xf32> to vector<16xf32>
    %broadcast_in_dim3A_1417 = vector.shape_cast %reduce_min3A_1416 : vector<16xf32> to vector<16x1xf32>
    %eq3A_1418 = vector.broadcast %broadcast_in_dim3A_1417 : vector<16x1xf32> to vector<16x4096xf32>
    %eq3A_1419 = arith.cmpf oeq, %convert_element_type3A_1208, %eq3A_1418 : vector<16x4096xf32>
    %jit3A_1420 = arith.constant 5.000000e+00 : f32
    %broadcast_in_dim3A_1421 = vector.broadcast %jit3A_1420 : f32 to vector<16x4096xf32>
    %select_n3A_1422 = arith.select %eq3A_1419, %broadcast_in_dim3A_1421, %select_n3A_1386 : vector<16x4096xi1>, vector<16x4096xf32>
    %jit3A_1423 = arith.constant 0x7F800000 : f32
    %broadcast_in_dim3A_1424 = vector.broadcast %jit3A_1423 : f32 to vector<16x4096xf32>
    %select_n3A_1425 = arith.select %eq3A_1419, %broadcast_in_dim3A_1424, %select_n3A_1389 : vector<16x4096xi1>, vector<16x4096xf32>
    %reduce_max3A_1426 = arith.constant dense<0xFF800000> : vector<16xf32>
    %reduce_max3A_1427 = vector.multi_reduction <maximumf>, %select_n3A_1406, %reduce_max3A_1426 [1] : vector<16x4096xf32> to vector<16xf32>
    %broadcast_in_dim3A_1428 = vector.shape_cast %reduce_max3A_1427 : vector<16xf32> to vector<16x1xf32>
    %add3A_1429 = arith.addf %add3A_1393, %broadcast_in_dim3A_1428 : vector<16x1xf32>
    %eq3A_1430 = vector.broadcast %broadcast_in_dim3A_1428 : vector<16x1xf32> to vector<16x4096xf32>
    %eq3A_1431 = arith.cmpf oeq, %select_n3A_1406, %eq3A_1430 : vector<16x4096xf32>
    %jit3A_1432 = arith.constant 4.096000e+03 : f32
    %broadcast_in_dim3A_1433 = vector.broadcast %jit3A_1432 : f32 to vector<16x4096xf32>
    %select_n3A_1434 = arith.select %eq3A_1431, %convert_element_type3A_1208, %broadcast_in_dim3A_1433 : vector<16x4096xi1>, vector<16x4096xf32>
    %reduce_min3A_1435 = arith.constant dense<0x7F800000> : vector<16xf32>
    %reduce_min3A_1436 = vector.multi_reduction <minimumf>, %select_n3A_1434, %reduce_min3A_1435 [1] : vector<16x4096xf32> to vector<16xf32>
    %broadcast_in_dim3A_1437 = vector.shape_cast %reduce_min3A_1436 : vector<16xf32> to vector<16x1xf32>
    %eq3A_1438 = vector.broadcast %broadcast_in_dim3A_1437 : vector<16x1xf32> to vector<16x4096xf32>
    %eq3A_1439 = arith.cmpf oeq, %convert_element_type3A_1208, %eq3A_1438 : vector<16x4096xf32>
    %jit3A_1440 = arith.constant 0xFF800000 : f32
    %broadcast_in_dim3A_1441 = vector.broadcast %jit3A_1440 : f32 to vector<16x4096xf32>
    %select_n3A_1442 = arith.select %eq3A_1439, %broadcast_in_dim3A_1441, %select_n3A_1406 : vector<16x4096xi1>, vector<16x4096xf32>
    %reduce_min3A_1443 = arith.constant dense<0x7F800000> : vector<16xf32>
    %reduce_min3A_1444 = vector.multi_reduction <minimumf>, %select_n3A_1425, %reduce_min3A_1443 [1] : vector<16x4096xf32> to vector<16xf32>
    %broadcast_in_dim3A_1445 = vector.shape_cast %reduce_min3A_1444 : vector<16xf32> to vector<16x1xf32>
    %eq3A_1446 = vector.broadcast %broadcast_in_dim3A_1445 : vector<16x1xf32> to vector<16x4096xf32>
    %eq3A_1447 = arith.cmpf oeq, %select_n3A_1425, %eq3A_1446 : vector<16x4096xf32>
    %jit3A_1448 = arith.constant 4.096000e+03 : f32
    %broadcast_in_dim3A_1449 = vector.broadcast %jit3A_1448 : f32 to vector<16x4096xf32>
    %select_n3A_1450 = arith.select %eq3A_1447, %convert_element_type3A_1208, %broadcast_in_dim3A_1449 : vector<16x4096xi1>, vector<16x4096xf32>
    %reduce_min3A_1451 = arith.constant dense<0x7F800000> : vector<16xf32>
    %reduce_min3A_1452 = vector.multi_reduction <minimumf>, %select_n3A_1450, %reduce_min3A_1451 [1] : vector<16x4096xf32> to vector<16xf32>
    %broadcast_in_dim3A_1453 = vector.shape_cast %reduce_min3A_1452 : vector<16xf32> to vector<16x1xf32>
    %eq3A_1454 = vector.broadcast %broadcast_in_dim3A_1453 : vector<16x1xf32> to vector<16x4096xf32>
    %eq3A_1455 = arith.cmpf oeq, %convert_element_type3A_1208, %eq3A_1454 : vector<16x4096xf32>
    %jit3A_1456 = arith.constant 6.000000e+00 : f32
    %broadcast_in_dim3A_1457 = vector.broadcast %jit3A_1456 : f32 to vector<16x4096xf32>
    %select_n3A_1458 = arith.select %eq3A_1455, %broadcast_in_dim3A_1457, %select_n3A_1422 : vector<16x4096xi1>, vector<16x4096xf32>
    %jit3A_1459 = arith.constant 0x7F800000 : f32
    %broadcast_in_dim3A_1460 = vector.broadcast %jit3A_1459 : f32 to vector<16x4096xf32>
    %select_n3A_1461 = arith.select %eq3A_1455, %broadcast_in_dim3A_1460, %select_n3A_1425 : vector<16x4096xi1>, vector<16x4096xf32>
    %reduce_max3A_1462 = arith.constant dense<0xFF800000> : vector<16xf32>
    %reduce_max3A_1463 = vector.multi_reduction <maximumf>, %select_n3A_1442, %reduce_max3A_1462 [1] : vector<16x4096xf32> to vector<16xf32>
    %broadcast_in_dim3A_1464 = vector.shape_cast %reduce_max3A_1463 : vector<16xf32> to vector<16x1xf32>
    %add3A_1465 = arith.addf %add3A_1429, %broadcast_in_dim3A_1464 : vector<16x1xf32>
    %eq3A_1466 = vector.broadcast %broadcast_in_dim3A_1464 : vector<16x1xf32> to vector<16x4096xf32>
    %eq3A_1467 = arith.cmpf oeq, %select_n3A_1442, %eq3A_1466 : vector<16x4096xf32>
    %jit3A_1468 = arith.constant 4.096000e+03 : f32
    %broadcast_in_dim3A_1469 = vector.broadcast %jit3A_1468 : f32 to vector<16x4096xf32>
    %select_n3A_1470 = arith.select %eq3A_1467, %convert_element_type3A_1208, %broadcast_in_dim3A_1469 : vector<16x4096xi1>, vector<16x4096xf32>
    %reduce_min3A_1471 = arith.constant dense<0x7F800000> : vector<16xf32>
    %reduce_min3A_1472 = vector.multi_reduction <minimumf>, %select_n3A_1470, %reduce_min3A_1471 [1] : vector<16x4096xf32> to vector<16xf32>
    %broadcast_in_dim3A_1473 = vector.shape_cast %reduce_min3A_1472 : vector<16xf32> to vector<16x1xf32>
    %eq3A_1474 = vector.broadcast %broadcast_in_dim3A_1473 : vector<16x1xf32> to vector<16x4096xf32>
    %eq3A_1475 = arith.cmpf oeq, %convert_element_type3A_1208, %eq3A_1474 : vector<16x4096xf32>
    %jit3A_1476 = arith.constant 0xFF800000 : f32
    %broadcast_in_dim3A_1477 = vector.broadcast %jit3A_1476 : f32 to vector<16x4096xf32>
    %select_n3A_1478 = arith.select %eq3A_1475, %broadcast_in_dim3A_1477, %select_n3A_1442 : vector<16x4096xi1>, vector<16x4096xf32>
    %reduce_min3A_1479 = arith.constant dense<0x7F800000> : vector<16xf32>
    %reduce_min3A_1480 = vector.multi_reduction <minimumf>, %select_n3A_1461, %reduce_min3A_1479 [1] : vector<16x4096xf32> to vector<16xf32>
    %broadcast_in_dim3A_1481 = vector.shape_cast %reduce_min3A_1480 : vector<16xf32> to vector<16x1xf32>
    %eq3A_1482 = vector.broadcast %broadcast_in_dim3A_1481 : vector<16x1xf32> to vector<16x4096xf32>
    %eq3A_1483 = arith.cmpf oeq, %select_n3A_1461, %eq3A_1482 : vector<16x4096xf32>
    %jit3A_1484 = arith.constant 4.096000e+03 : f32
    %broadcast_in_dim3A_1485 = vector.broadcast %jit3A_1484 : f32 to vector<16x4096xf32>
    %select_n3A_1486 = arith.select %eq3A_1483, %convert_element_type3A_1208, %broadcast_in_dim3A_1485 : vector<16x4096xi1>, vector<16x4096xf32>
    %reduce_min3A_1487 = arith.constant dense<0x7F800000> : vector<16xf32>
    %reduce_min3A_1488 = vector.multi_reduction <minimumf>, %select_n3A_1486, %reduce_min3A_1487 [1] : vector<16x4096xf32> to vector<16xf32>
    %broadcast_in_dim3A_1489 = vector.shape_cast %reduce_min3A_1488 : vector<16xf32> to vector<16x1xf32>
    %eq3A_1490 = vector.broadcast %broadcast_in_dim3A_1489 : vector<16x1xf32> to vector<16x4096xf32>
    %eq3A_1491 = arith.cmpf oeq, %convert_element_type3A_1208, %eq3A_1490 : vector<16x4096xf32>
    %jit3A_1492 = arith.constant 7.000000e+00 : f32
    %broadcast_in_dim3A_1493 = vector.broadcast %jit3A_1492 : f32 to vector<16x4096xf32>
    %select_n3A_1494 = arith.select %eq3A_1491, %broadcast_in_dim3A_1493, %select_n3A_1458 : vector<16x4096xi1>, vector<16x4096xf32>
    %jit3A_1495 = arith.constant 0x7F800000 : f32
    %broadcast_in_dim3A_1496 = vector.broadcast %jit3A_1495 : f32 to vector<16x4096xf32>
    %select_n3A_1497 = arith.select %eq3A_1491, %broadcast_in_dim3A_1496, %select_n3A_1461 : vector<16x4096xi1>, vector<16x4096xf32>
    %reduce_max3A_1498 = arith.constant dense<0xFF800000> : vector<16xf32>
    %reduce_max3A_1499 = vector.multi_reduction <maximumf>, %select_n3A_1478, %reduce_max3A_1498 [1] : vector<16x4096xf32> to vector<16xf32>
    %broadcast_in_dim3A_1500 = vector.shape_cast %reduce_max3A_1499 : vector<16xf32> to vector<16x1xf32>
    %add3A_1501 = arith.addf %add3A_1465, %broadcast_in_dim3A_1500 : vector<16x1xf32>
    %eq3A_1502 = vector.broadcast %broadcast_in_dim3A_1500 : vector<16x1xf32> to vector<16x4096xf32>
    %eq3A_1503 = arith.cmpf oeq, %select_n3A_1478, %eq3A_1502 : vector<16x4096xf32>
    %jit3A_1504 = arith.constant 4.096000e+03 : f32
    %broadcast_in_dim3A_1505 = vector.broadcast %jit3A_1504 : f32 to vector<16x4096xf32>
    %select_n3A_1506 = arith.select %eq3A_1503, %convert_element_type3A_1208, %broadcast_in_dim3A_1505 : vector<16x4096xi1>, vector<16x4096xf32>
    %reduce_min3A_1507 = arith.constant dense<0x7F800000> : vector<16xf32>
    %reduce_min3A_1508 = vector.multi_reduction <minimumf>, %select_n3A_1506, %reduce_min3A_1507 [1] : vector<16x4096xf32> to vector<16xf32>
    %broadcast_in_dim3A_1509 = vector.shape_cast %reduce_min3A_1508 : vector<16xf32> to vector<16x1xf32>
    %eq3A_1510 = vector.broadcast %broadcast_in_dim3A_1509 : vector<16x1xf32> to vector<16x4096xf32>
    %eq3A_1511 = arith.cmpf oeq, %convert_element_type3A_1208, %eq3A_1510 : vector<16x4096xf32>
    %jit3A_1512 = arith.constant 0xFF800000 : f32
    %broadcast_in_dim3A_1513 = vector.broadcast %jit3A_1512 : f32 to vector<16x4096xf32>
    %select_n3A_1514 = arith.select %eq3A_1511, %broadcast_in_dim3A_1513, %select_n3A_1478 : vector<16x4096xi1>, vector<16x4096xf32>
    %reduce_min3A_1515 = arith.constant dense<0x7F800000> : vector<16xf32>
    %reduce_min3A_1516 = vector.multi_reduction <minimumf>, %select_n3A_1497, %reduce_min3A_1515 [1] : vector<16x4096xf32> to vector<16xf32>
    %broadcast_in_dim3A_1517 = vector.shape_cast %reduce_min3A_1516 : vector<16xf32> to vector<16x1xf32>
    %eq3A_1518 = vector.broadcast %broadcast_in_dim3A_1517 : vector<16x1xf32> to vector<16x4096xf32>
    %eq3A_1519 = arith.cmpf oeq, %select_n3A_1497, %eq3A_1518 : vector<16x4096xf32>
    %jit3A_1520 = arith.constant 4.096000e+03 : f32
    %broadcast_in_dim3A_1521 = vector.broadcast %jit3A_1520 : f32 to vector<16x4096xf32>
    %select_n3A_1522 = arith.select %eq3A_1519, %convert_element_type3A_1208, %broadcast_in_dim3A_1521 : vector<16x4096xi1>, vector<16x4096xf32>
    %reduce_min3A_1523 = arith.constant dense<0x7F800000> : vector<16xf32>
    %reduce_min3A_1524 = vector.multi_reduction <minimumf>, %select_n3A_1522, %reduce_min3A_1523 [1] : vector<16x4096xf32> to vector<16xf32>
    %broadcast_in_dim3A_1525 = vector.shape_cast %reduce_min3A_1524 : vector<16xf32> to vector<16x1xf32>
    %eq3A_1526 = vector.broadcast %broadcast_in_dim3A_1525 : vector<16x1xf32> to vector<16x4096xf32>
    %eq3A_1527 = arith.cmpf oeq, %convert_element_type3A_1208, %eq3A_1526 : vector<16x4096xf32>
    %jit3A_1528 = arith.constant 8.000000e+00 : f32
    %broadcast_in_dim3A_1529 = vector.broadcast %jit3A_1528 : f32 to vector<16x4096xf32>
    %select_n3A_1530 = arith.select %eq3A_1527, %broadcast_in_dim3A_1529, %select_n3A_1494 : vector<16x4096xi1>, vector<16x4096xf32>
    %jit3A_1531 = arith.constant 0x7F800000 : f32
    %broadcast_in_dim3A_1532 = vector.broadcast %jit3A_1531 : f32 to vector<16x4096xf32>
    %select_n3A_1533 = arith.select %eq3A_1527, %broadcast_in_dim3A_1532, %select_n3A_1497 : vector<16x4096xi1>, vector<16x4096xf32>
    %reduce_max3A_1534 = arith.constant dense<0xFF800000> : vector<16xf32>
    %reduce_max3A_1535 = vector.multi_reduction <maximumf>, %select_n3A_1514, %reduce_max3A_1534 [1] : vector<16x4096xf32> to vector<16xf32>
    %broadcast_in_dim3A_1536 = vector.shape_cast %reduce_max3A_1535 : vector<16xf32> to vector<16x1xf32>
    %add3A_1537 = arith.addf %add3A_1501, %broadcast_in_dim3A_1536 : vector<16x1xf32>
    %reduce_min3A_1538 = arith.constant dense<0x7F800000> : vector<16xf32>
    %reduce_min3A_1539 = vector.multi_reduction <minimumf>, %select_n3A_1533, %reduce_min3A_1538 [1] : vector<16x4096xf32> to vector<16xf32>
    %broadcast_in_dim3A_1540 = vector.shape_cast %reduce_min3A_1539 : vector<16xf32> to vector<16x1xf32>
    %eq3A_1541 = vector.broadcast %broadcast_in_dim3A_1540 : vector<16x1xf32> to vector<16x4096xf32>
    %eq3A_1542 = arith.cmpf oeq, %select_n3A_1533, %eq3A_1541 : vector<16x4096xf32>
    %jit3A_1543 = arith.constant 4.096000e+03 : f32
    %broadcast_in_dim3A_1544 = vector.broadcast %jit3A_1543 : f32 to vector<16x4096xf32>
    %select_n3A_1545 = arith.select %eq3A_1542, %convert_element_type3A_1208, %broadcast_in_dim3A_1544 : vector<16x4096xi1>, vector<16x4096xf32>
    %reduce_min3A_1546 = arith.constant dense<0x7F800000> : vector<16xf32>
    %reduce_min3A_1547 = vector.multi_reduction <minimumf>, %select_n3A_1545, %reduce_min3A_1546 [1] : vector<16x4096xf32> to vector<16xf32>
    %broadcast_in_dim3A_1548 = vector.shape_cast %reduce_min3A_1547 : vector<16xf32> to vector<16x1xf32>
    %eq3A_1549 = vector.broadcast %broadcast_in_dim3A_1548 : vector<16x1xf32> to vector<16x4096xf32>
    %eq3A_1550 = arith.cmpf oeq, %convert_element_type3A_1208, %eq3A_1549 : vector<16x4096xf32>
    %jit3A_1551 = arith.constant 9.000000e+00 : f32
    %broadcast_in_dim3A_1552 = vector.broadcast %jit3A_1551 : f32 to vector<16x4096xf32>
    %select_n3A_1553 = arith.select %eq3A_1550, %broadcast_in_dim3A_1552, %select_n3A_1530 : vector<16x4096xi1>, vector<16x4096xf32>
    %convert_element_type3A_1554 = arith.fptosi %add3A_1537 : vector<16x1xf32> to vector<16x1xi32>
    %jit3A_1555 = arith.constant 1 : i32
    %jit3A_1556 = arith.constant 4096 : i32
    %max3A_1557 = vector.broadcast %jit3A_1555 : i32 to vector<16x1xi32>
    %max3A_1558 = arith.maxsi %max3A_1557, %convert_element_type3A_1554 : vector<16x1xi32>
    %min3A = vector.broadcast %jit3A_1556 : i32 to vector<16x1xi32>
    %min3A_1559 = arith.minsi %min3A, %max3A_1558 : vector<16x1xi32>
    %convert_element_type3A_1560 = arith.sitofp %min3A_1559 : vector<16x1xi32> to vector<16x1xf32>
    %lt3A_1561 = vector.broadcast %convert_element_type3A_1560 : vector<16x1xf32> to vector<16x4096xf32>
    %lt3A_1562 = arith.cmpf olt, %select_n3A_1553, %lt3A_1561 : vector<16x4096xf32>
    %and3A_1563 = vector.broadcast %lt3A_1175 : vector<16x1xi1> to vector<16x4096xi1>
    %and3A_1564 = arith.andi %lt3A_1562, %and3A_1563 : vector<16x4096xi1>
    %jit3A_1565 = arith.constant 1.000000e+08 : f32
    %broadcast_in_dim3A_1566 = vector.broadcast %jit3A_1565 : f32 to vector<16x4096xf32>
    %select_n3A_1567 = arith.select %and3A_1564, %add3A_1206, %broadcast_in_dim3A_1566 : vector<16x4096xi1>, vector<16x4096xf32>
    %reduce_min3A_1568 = arith.constant dense<0x7F800000> : vector<4096xf32>
    %reduce_min3A_1569 = vector.multi_reduction <minimumf>, %select_n3A_1567, %reduce_min3A_1568 [0] : vector<16x4096xf32> to vector<4096xf32>
    %broadcast_in_dim3A_1570 = vector.shape_cast %reduce_min3A_1569 : vector<4096xf32> to vector<1x4096xf32>
    %iota3A_1571 = tpu.iota {dimensions = array<i32: 0>} : vector<16x4096xi32>
    %convert_element_type3A_1572 = arith.sitofp %iota3A_1571 : vector<16x4096xi32> to vector<16x4096xf32>
    %eq3A_1573 = vector.broadcast %broadcast_in_dim3A_1570 : vector<1x4096xf32> to vector<16x4096xf32>
    %eq3A_1574 = arith.cmpf oeq, %select_n3A_1567, %eq3A_1573 : vector<16x4096xf32>
    %jit3A_1575 = arith.constant 1.000000e+09 : f32
    %broadcast_in_dim3A_1576 = vector.broadcast %jit3A_1575 : f32 to vector<16x4096xf32>
    %select_n3A_1577 = arith.select %eq3A_1574, %convert_element_type3A_1572, %broadcast_in_dim3A_1576 : vector<16x4096xi1>, vector<16x4096xf32>
    %reduce_min3A_1578 = arith.constant dense<0x7F800000> : vector<4096xf32>
    %reduce_min3A_1579 = vector.multi_reduction <minimumf>, %select_n3A_1577, %reduce_min3A_1578 [0] : vector<16x4096xf32> to vector<4096xf32>
    %broadcast_in_dim3A_1580 = vector.shape_cast %reduce_min3A_1579 : vector<4096xf32> to vector<1x4096xf32>
    %lt3A_1581 = arith.constant 1.000000e+08 : f32
    %lt3A_1582 = vector.broadcast %lt3A_1581 : f32 to vector<1x4096xf32>
    %lt3A_1583 = arith.cmpf olt, %broadcast_in_dim3A_1570, %lt3A_1582 : vector<1x4096xf32>
    %jit3A_1584 = arith.constant -1.000000e+00 : f32
    %broadcast_in_dim3A_1585 = vector.broadcast %jit3A_1584 : f32 to vector<1x4096xf32>
    %select_n3A_1586 = arith.select %lt3A_1583, %broadcast_in_dim3A_1580, %broadcast_in_dim3A_1585 : vector<1x4096xi1>, vector<1x4096xf32>
    %convert_element_type3A_1587 = arith.fptosi %select_n3A_1586 : vector<1x4096xf32> to vector<1x4096xi32>
    %swap3A = arith.constant 0 : index
    %swap3A_1588 = arith.constant 0 : index
    %swap3A_1589 = arith.constant 0 : index
    %swap3A_1590 = vector.load %arg8[%swap3A, %swap3A_1588, %swap3A_1589] : memref<1x1x4096xi32, #tpu.memory_space<vmem>>, vector<1x1x4096xi32>
    %swap3A_1591 = vector.shape_cast %swap3A_1590 : vector<1x1x4096xi32> to vector<1x4096xi32>
    %swap3A_1592 = vector.shape_cast %convert_element_type3A_1587 : vector<1x4096xi32> to vector<1x1x4096xi32>
    tpu.vector_store %arg8[%swap3A, %swap3A_1588, %swap3A_1589], %swap3A_1592 {strides = array<i32>} : memref<1x1x4096xi32, #tpu.memory_space<vmem>>, vector<1x1x4096xi32>,
    return
  }
  func.func @transform_0(%arg0: i32) -> (i32, i32) {
    %c0_i32 = arith.constant 0 : i32
    %c0_i32_0 = arith.constant 0 : i32
    %c0_i32_1 = arith.constant 0 : i32
    return %c0_i32, %c0_i32_0 : i32, i32
  }
  func.func @transform_1(%arg0: i32) -> (i32, i32) {
    %c0_i32 = arith.constant 0 : i32
    %c0_i32_0 = arith.constant 0 : i32
    %c0_i32_1 = arith.constant 0 : i32
    return %c0_i32, %c0_i32_0 : i32, i32
  }
  func.func @transform_2(%arg0: i32) -> (i32, i32, i32) {
    %c0_i32 = arith.constant 0 : i32
    %c0_i32_0 = arith.constant 0 : i32
    %c0_i32_1 = arith.constant 0 : i32
    return %arg0, %c0_i32, %c0_i32_0 : i32, i32, i32
  }
  func.func @transform_3(%arg0: i32) -> (i32, i32, i32) {
    %c0_i32 = arith.constant 0 : i32
    %c0_i32_0 = arith.constant 0 : i32
    %c0_i32_1 = arith.constant 0 : i32
    return %arg0, %c0_i32, %c0_i32_0 : i32, i32, i32
  }
  func.func @transform_4(%arg0: i32) -> (i32, i32, i32) {
    %c0_i32 = arith.constant 0 : i32
    %c0_i32_0 = arith.constant 0 : i32
    %c0_i32_1 = arith.constant 0 : i32
    return %arg0, %c0_i32, %c0_i32_0 : i32, i32, i32
  }
  func.func @transform_5(%arg0: i32) -> (i32, i32, i32) {
    %c0_i32 = arith.constant 0 : i32
    %c0_i32_0 = arith.constant 0 : i32
    %c0_i32_1 = arith.constant 0 : i32
    return %arg0, %c0_i32, %c0_i32_0 : i32, i32, i32
  }
  func.func @transform_6(%arg0: i32) -> (i32, i32, i32) {
    %c0_i32 = arith.constant 0 : i32
    %c0_i32_0 = arith.constant 0 : i32
    %c0_i32_1 = arith.constant 0 : i32
    return %arg0, %c0_i32, %c0_i32_0 : i32, i32, i32
  }
  func.func @transform_7(%arg0: i32) -> (i32, i32, i32) {
    %c0_i32 = arith.constant 0 : i32
    %c0_i32_0 = arith.constant 0 : i32
    %c0_i32_1 = arith.constant 0 : i32
    return %arg0, %c0_i32, %c0_i32_0 : i32, i32, i32
  }
}

</mosaic_0001>

<sc_bundles>
// kernel: sparse-core-data-format-call.cloned.1.call-start
scs
called_computation_lowered:
.L_overlay_start_0:
0x0: {  	s1 =	sld [smem:$0x3FD9]  }
0x1: {  	s2 =	sld [smem:$0x3FFE];
	_ =	sdelay $0x1  }
0x2: {  	s3 =	srdreg.scid  }
0x3: {  	s0 =	sand.u32 $0x1, s3  }
0x4: {  	s17 =	sshll.u32 s0, $0xA;
	s1 =	sadd.s32 s2, s1  }
0x5: {  	s1 =	sadd.s32 s1, s17  }
0x6: {  	[smem:$0x3FC3] =	sst s1  }
0x7: {  	_ = 	snop  }
0x8: {  	(tm) =	ssettm $0x1  }
0x9: {  	s18 =	sld [smem:$0x3FFB];
	_ =	sdelay $0x3  }
0xa: {  	_ =	strace s18  }
0xb: {  	s1 =	sld [smem:$0x3FFC];
	_ =	sdelay $0x3  }
0xc: {  	_ =	strace s1  }
0xd: {  	s1 =	sld [smem:$0x3FFD];
	_ =	sdelay $0x3  }
0xe: {  	_ =	strace s1  }
0xf: {  	_ =	strace $0x8FFFFFFF  }
0x10: {  	s19 =	sld [smem:$0x3FDB];
	_ =	sdelay $0x1  }
0x11: {  	s20 =	simm.s32 $_scs_section_size  }
0x12: {  	s4 =	simm.s32 $_size__tile_overlayer_lowered;
	s5 =	simm.s32 $_tile_overlayer_lowered  }
0x13: {  	s23 =	simm.s32 $0x1BFF;
	s22 =	sshll.u32 s5, $0x1;
	s1 =	sadd.s32 s20, s19  }
0x14: {  	s6 =	simm.s32 $0x0;
	s21 =	sshll.u32 s4, $0x1;
	s4 =	sadd.s32 s22, s1  }
0x15: {  	[timem:s6], [sflag:s23] =	dma.local [hbm:s4], s21  }
0x16: {  	_ =	swait.ge [sflag:s23], s21  }
0x17: {  	s2 =	ssub.s32 $0x0, s21;
	[sflag:s23] =	ssyncset.done $0x0  }
0x18: {  	[sflag:s23] =	ssyncadd.s32 s2;
	_ =	sdelay $0x1  }
0x19: {  	s24 =	simm.s32 $0x1B8B  }
0x1a: {  	_ =	swait.ge [sflag:s24], $0x1  }
0x1b: {  	[sflag:s24] =	ssyncset.done $0x0  }
0x1c: {  	s26 =	simm.s32 $0x1B8E;
	s25 =	sld [smem:$0x3FFE];
	[sflag:s24] =	ssyncadd.s32 $0xFFFFFFFF  }
0x1d: {  	s27 =	simm.s32 $execute0_lowered;
	[smem:$0x3FD2] =	sst s26  }
0x1e: {  	s4 =	sshll.u32 s27, $0x1;
	_ =	strace $0x80000046;
	[dreg:$0x1] =	wrdreg $0xFFFFFFFF  }
0x1f: {  	s28 =	simm.s32 $_size_execute0_lowered;
	s1 =	sadd.s32 s1, s4;
	[dreg:$0x0] =	wrdreg $0x0  }
0x20: {  	s4 =	sshll.u32 s28, $0x1;
	[dreg:$0x2] =	wrdreg s1  }
0x21: {  	[dreg:$0x3] =	wrdreg s4  }
0x22: {  	[dreg:$0x4] =	wrdreg $0xC0  }
0x23: {  	_ =	task [dreg:s6], $0x5FFFF  }
0x24: {  	[dreg:$0x1] =	wrdreg $0xFFFFFFFF  }
0x25: {  	[dreg:$0x0] =	wrdreg $0x60  }
0x26: {  	[dreg:$0x2] =	wrdreg s25  }
0x27: {  	[dreg:$0x3] =	wrdreg $0x9  }
0x28: {  	_ =	task.clear_ibuf [dreg:s6], $0x4FFFF;
	_ =	strace $0x90000046  }
0x29: {  	s29 =	simm.s32 $0x9;
	_ =	strace $0x80000048  }
0x2a: {  	_ =	swait.ge [sflag:s29], $0x1  }
0x2b: {  	[sflag:s29] =	ssyncadd.s32 $0xFFFFFFFF  }
0x2c: {  	_ =	strace $0x90000048  }
0x2d: {  	_ =	sfence  }
0x2e: {  	s30 =	sld [smem:$0x0];
	_ =	sdelay $0x2  }
0x2f: {  	s31 =	sshll.u32 s3, $0xD;
	s3 =	sshrl.u32 s3, $0x2  }
0x30: {  	s2 =	sand.u32 $0x4000, s31;
	s1 =	sadd.s32 s3, s30  }
0x31: {  	s0 =	sor.u32 s2, s0;
	s1 =	sshll.u32 s1, $0x11  }
0x32: {  	s0 =	sor.u32 s1, s0  }
0x33: {  	s0 =	sadd.s32 $0x8F2B, s0  }
0x34: {  	[sflag:s0] =	ssyncadd.remote.s32 $0x1  }
0x35: {  	_ =	sfence.sel $0xFFFF  }
0x36: {  	[dreg:$0x0] =	wrdreg $0xFFFFFFFF;
	(pc) =	sbr.abs _section_cstart, $3  }
0x37: {  	[dreg:$0x1] =	wrdreg $0xFFFFFFFF  }
0x38: {  	_ =	task.clear_ibuf [dreg:s6], $0x2FFFF;
	_ =	strace $0x9FFFFFFF  }
0x39: {  	(tm) =	ssettm $0x7FFFFFFF  }
tec
execute0_lowered:
.L_overlay_start_1:
0x0: {  	(tag) =	ssettag $0x1  }
0x1: {  	s0 =	srdreg.scid  }
0x2: {  	s1 =	sshll.u32 s0, $0x4  }
0x3: {  	s0 =	stileid.u32;
	s1 =	sand.u32 $0x10, s1  }
0x4: {  	s5 =	rddreg [dreg:$0x0];
	s1 =	sor.u32 s0, s1  }
0x5: {  	s4 =	simm.s32 $0x1;
	s31 =	simm.s32 $0x2;
	s2 =	sshll.u32 s1, $0x7  }
0x6: {  	s14 =	simm.s32 $0x0;
	s8 =	simm.s32 $0x200;
	s3 =	ssub.s32 $0x1000, s2  }
0x7: {  	s9 =	simm.s32 $0x48000;
	s10 =	simm.s32 $0x0;
	s30 =	sand.u32 $0xF80, s3  }
0x8: {  	s13 =	simm.s32 $0x0;
	s11 =	simm.s32 $0x0;
	p0 =	sne.s32 s30, $0x0  }
.Ltmp0:
0x9: {  	s6 =	sshrl.u32 s3, $0xC;
	s4 =	simm.s32 @!p0 $0x0;
	(pc) =	sbr.rel .LBB1_1-.Ltmp0, $4  }
0xa: {  	s12 =	simm.s32 $0x0;
	s1 =	rddreg [dreg:$0x1];
	s4 =	sadd.s32 s4, s6  }
0xb: {  	_ =	strace $0x80000047;
	s3 =	simm.s32 $0x1;
	s4 =	smul.u32 $0x12, s4  }
0xc: {  	s7 =	sadd.s32 s2, s5;
	s5 =	sadd.s32 $0x120E00, s5;
	[sflag:s3] =	ssyncpa.u1 $0x0  }
0xd: {  	[sflag:s31] =	ssyncpa.u1 $0x0;
	s6 =	sadd.s32 $0xE00, s7;
	s7 =	sor.u32 $0x1, s4  }
.LBB1_7:
0xe: {  	s15 =	sadd.s32 $0x4, s11  }
0xf: {  	p1 =	sgt.s32 s15, $0x47  }
0x10: {  	s15 =	simm.s32 @p1 $0x0;
	p1 =	sne.s32 s12, s7  }
.Ltmp1:
0x11: {  	p0 =	slt.u32 s12, $0x2;
	(pc) =	sbr.rel @!p1 .LBB1_8-.Ltmp1, $4  }
0x12: {  	s14 =	simm.s32 @!p0 $0x2  }
0x13: {  	s16 =	sadd.s32 $0x1, s12;
	s13 =	smov.u32 s11;
	_ =	swait.ge @!p0 [sflag:s14], $0x4000  }
0x14: {  	s10 =	sadd.s32 $0x4000, s10;
	s12 =	smov.u32 s16;
	[sflag:s14] =	ssyncset.done @!p0 $0x0  }
0x15: {  	s11 =	smov.u32 s15;
	[sflag:s14] =	ssyncadd.s32 @!p0 $0xFFFFC000;
	s14 =	smov.u32 s2  }
.LBB1_1:
0x16: {  	p0 =	sge.u32 s12, s4  }
0x17: {  	s31 =	sadd.s32 $0xFFFFFFFF, s12;
	s15 =	sxor.u32 @!p0 $0xFFFFFFFF, s12  }
0x18: {  	s16 =	sshll.u32 @!p0 s11, $0xE;
	s17 =	simm.s32 @!p0 $0x400;
	s15 =	sshll.u32 @!p0 s15, $0xE  }
0x19: {  	s18 =	simm.s32 @!p0 $0x8000;
	s16 =	sadd.s32 @!p0 s16, s6;
	s15 =	sand.u32 @!p0 $0x4000, s15  }
0x1a: {  	[tilespmem:s15], [sflag:$0x1] =	stream.strided.gather @!p0 [hbm4b:s16+s17], $0x4000, s18, s17, $0x38;
	[tilespmem:$0x10000] =	vst v63  }
0x1b: {  	p0 =	sge.u32 s31, s4  }
.Ltmp2:
0x1c: {  	_ = 	snop;
	(pc) =	sbr.rel @p0 .LBB1_7-.Ltmp2, $1  }
0x1d: {  	_ =	sdelay $0x3  }
0x1e: {  	s15 =	sand.u32 $0x4000, s10  }
0x1f: {  	_ =	swait.ge [sflag:s3], $0x4000;
	s18 =	sshll.u32 s12, $0xE;
	s16 =	sor.u32 $0x8040, s15  }
0x20: {  	s17 =	sor.u32 $0x40, s15;
	[sflag:s3] =	ssyncset.done $0x0;
	s31 =	sand.u32 $0x4000, s18  }
0x21: {  	s18 =	simm.s32 $0x0;
	[sflag:s3] =	ssyncadd.s32 $0xFFFFC000;
	s15 =	sor.u32 $0x8000, s31  }
.LBB1_3:
0x22: {  	v0 =	vmov s17;
	_ =	sdelay $0x3  }
0x23: {  	s20 =	simm.s32 $0x0  }
0x24: {  	v6 =	vld.idx.msk [tilespmem:v0+s20+$0x30 ss:$0x1], $0xffff  }
0x25: {  	v7 =	vld.idx.msk [tilespmem:v0+s20+$0xFFFFFFC0 ss:$0x1], $0xffff  }
0x26: {  	v5 =	vld.idx.msk [tilespmem:v0+s20+$0xFFFFFFD0 ss:$0x1], $0xffff  }
0x27: {  	v4 =	vld.idx.msk [tilespmem:v0+s20+$0xFFFFFFE0 ss:$0x1], $0xffff  }
0x28: {  	v3 =	vld.idx.msk [tilespmem:v0+s20+$0xFFFFFFF0 ss:$0x1], $0xffff  }
0x29: {  	v1 =	vld.idx.msk [tilespmem:v0+s20+$0x0 ss:$0x1], $0xffff  }
0x2a: {  	v2 =	vld.idx.msk [tilespmem:v0+s20+$0x10 ss:$0x1], $0xffff;
	[tilespmem:s16+$0x30] =	vst v6  }
0x2b: {  	s19 =	simm.s32 $0x80;
	s21 =	simm.s32 $0x400;
	[tilespmem:s16+$0xFFFFFFC0] =	vst v7;
	v6 =	vld.idx.msk [tilespmem:v0+s20+$0x20 ss:$0x1], $0xffff;
	s20 =	smov.u32 s16  }
.LBB1_4:
0x2c: {  	p0 =	sne.s32 s21, $0x3E00;
	v7 =	vld.idx.msk [tilespmem:v0+s19+$0x30 ss:$0x1], $0xffff;
	[tilespmem:s20+$0xFFFFFFD0] =	vst v5  }
0x2d: {  	v8 =	vld.idx.msk [tilespmem:v0+s19+$0xFFFFFFC0 ss:$0x1], $0xffff;
	[tilespmem:s20+$0xFFFFFFE0] =	vst v4  }
0x2e: {  	v5 =	vld.idx.msk [tilespmem:v0+s19+$0xFFFFFFD0 ss:$0x1], $0xffff;
	[tilespmem:s20+$0xFFFFFFF0] =	vst v3  }
.Ltmp3:
0x2f: {  	v4 =	vld.idx.msk [tilespmem:v0+s19+$0xFFFFFFE0 ss:$0x1], $0xffff;
	[tilespmem:s20+$0x0] =	vst v1;
	(pc) =	sbr.rel @p0 .LBB1_4-.Ltmp3, $4  }
0x30: {  	v3 =	vld.idx.msk [tilespmem:v0+s19+$0xFFFFFFF0 ss:$0x1], $0xffff;
	[tilespmem:s20+$0x10] =	vst v2  }
0x31: {  	v1 =	vld.idx.msk [tilespmem:v0+s19+$0x0 ss:$0x1], $0xffff;
	[tilespmem:s20+$0x20] =	vst v6;
	s20 =	sadd.s32 $0x200, s20  }
0x32: {  	v2 =	vld.idx.msk [tilespmem:v0+s19+$0x10 ss:$0x1], $0xffff;
	[tilespmem:s20+$0x30] =	vst v7  }
0x33: {  	[tilespmem:s20+$0xFFFFFFC0] =	vst v8;
	v6 =	vld.idx.msk [tilespmem:v0+s19+$0x20 ss:$0x1], $0xffff;
	s19 =	sshra.s32 s21, $0x2;
	s21 =	sadd.s32 $0x200, s21  }
0x34: {  	_ =	sdelay $0x2  }
0x35: {  	[tilespmem:s20+$0xFFFFFFD0] =	vst v5  }
0x36: {  	v56 =	vld.idx.msk [tilespmem:v0+s19+$0x30 ss:$0x1], $0xffff;
	[tilespmem:s20+$0xFFFFFFE0] =	vst v4  }
0x37: {  	v57 =	vld.idx.msk [tilespmem:v0+s19+$0xFFFFFFC0 ss:$0x1], $0xffff;
	[tilespmem:s20+$0xFFFFFFF0] =	vst v3  }
0x38: {  	v58 =	vld.idx.msk [tilespmem:v0+s19+$0xFFFFFFD0 ss:$0x1], $0xffff;
	[tilespmem:s20+$0x0] =	vst v1  }
0x39: {  	v59 =	vld.idx.msk [tilespmem:v0+s19+$0xFFFFFFE0 ss:$0x1], $0xffff;
	[tilespmem:s20+$0x10] =	vst v2  }
0x3a: {  	v60 =	vld.idx.msk [tilespmem:v0+s19+$0xFFFFFFF0 ss:$0x1], $0xffff;
	s31 =	sadd.s32 $0x200, s20;
	[tilespmem:s20+$0x20] =	vst v6  }
0x3b: {  	v61 =	vld.idx.msk [tilespmem:v0+s19+$0x0 ss:$0x1], $0xffff;
	[tilespmem:s31+$0x30] =	vst v56  }
0x3c: {  	v62 =	vld.idx.msk [tilespmem:v0+s19+$0x10 ss:$0x1], $0xffff;
	s18 =	sadd.s32 $0x1, s18;
	[tilespmem:s31+$0xFFFFFFC0] =	vst v57  }
0x3d: {  	v63 =	vld.idx.msk [tilespmem:v0+s19+$0x20 ss:$0x1], $0xffff;
	p0 =	sne.s32 s18, $0x4;
	[tilespmem:s31+$0xFFFFFFD0] =	vst v58  }
.Ltmp4:
0x3e: {  	[tilespmem:s31+$0xFFFFFFE0] =	vst v59;
	(pc) =	sbr.rel @p0 .LBB1_3-.Ltmp4, $4  }
0x3f: {  	[tilespmem:s31+$0xFFFFFFF0] =	vst v60  }
0x40: {  	[tilespmem:s31+$0x0] =	vst v61  }
0x41: {  	[tilespmem:s31+$0x10] =	vst v62  }
0x42: {  	s16 =	sadd.s32 $0x80, s16;
	s17 =	sadd.s32 $0x1000, s17;
	[tilespmem:s31+$0x20] =	vst v63  }
0x43: {  	s16 =	sshll.u32 s13, $0xC  }
0x44: {  	s14 =	sshll.u32 s14, $0x3;
	s16 =	sand.u32 $0xFFFF8000, s16  }
0x45: {  	s16 =	sadd.s32 s14, s16  }
0x46: {  	s16 =	sshrl.u32 s16, $0xC  }
0x47: {  	s17 =	smulhi.u32 $0x38E38E4, s16  }
0x48: {  	s30 =	sshll.u32 s13, $0x7  }
0x49: {  	s13 =	sand.u32 $0x380, s30;
	s14 =	sand.u32 $0xC00, s14;
	s17 =	smul.u32 $0x48, s17  }
.Ltmp5:
0x4a: {  	s13 =	sor.u32 s13, s14;
	(pc) =	sbr.rel .LBB1_7-.Ltmp5, $4  }
0x4b: {  	s13 =	sshrl.u32 s13, $0x3;
	s31 =	ssub.s32 s16, s17  }
0x4c: {  	s13 =	sadd.s32 s5, s13;
	s14 =	sshll.u32 s31, $0x9  }
0x4d: {  	s13 =	sadd.s32 s14, s13  }
0x4e: {  	[hbm4b:s13+s8] =	stream.strided.scatter [tilespmem:s15], [sflag:$0x2], $0x4000, s9, s8, $0x38;
	[tilespmem:$0x10000] =	vst v63  }
.LBB1_8:
0x4f: {  	_ =	sfence.sel $0x180000  }
0x50: {  	s2 =	simm.s32 $0x1;
	[bflag:$0x0] =	sbarrier.arrive $0xFFFF  }
0x51: {  	s31 =	simm.s32 $0x2;
	[sflag:s2] =	ssyncpa.u1 $0x1  }
0x52: {  	[sflag:s31] =	ssyncpa.u1 $0x1  }
0x53: {  	p0 =	sne.s32 s0, $0x0;
	_ =	strace $0x90000047  }
0x54: {  	s0 =	sadd.s32 @!p0 $0x100000, s1;
	[bflag:$0x2] =	sbarrier.arrive $0xFFFF  }
0x55: {  	[sflag:s0] =	ssyncadd.tile.s32 @!p0 $0x1;
	_ =	shalt  }
.Lfunc_end1:
_tile_overlayer_lowered:
.L_overlay_start_2:
0x56: {  	(tag) =	ssettag $0x2  }
0x57: {  	s0 =	rddreg [dreg:$0x0];
	s2 =	stileid.u32  }
0x58: {  	s1 =	rddreg [dreg:$0x1];
	p0 =	sne.s32 s2, $0x0  }
0x59: {  	s3 =	rddreg [dreg:$0x2];
	[bflag:$0x3] =	sbarrier.arrive $0xFFFF;
	s2 =	simm.s32 @!p0 $0x1C01  }
0x5a: {  	[timem:s3], [sflag:s2] =	dma.local @!p0 [hbm:s0], s1  }
0x5b: {  	s0 =	simm.s32 @!p0 $0x1  }
0x5c: {  	_ =	swait.ge @!p0 [sflag:s0], s1  }
0x5d: {  	s1 =	ssub.s32 @!p0 $0x0, s1;
	[sflag:s0] =	ssyncset.done @!p0 $0x0  }
0x5e: {  	[sflag:s0] =	ssyncadd.s32 @!p0 s1  }
0x5f: {  	[bflag:$0x3] =	sbarrier.arrive $0xFFFF  }
0x60: {  	_ =	shalt  }

</sc_bundles>
